<compile_context>
chip_gen: v7x
topology: tpu7x:2x2x1
jax: 0.10.2.dev20260603
libtpu: 0.0.44.dev20260713+nightly
codegen_flags: <defaults>
</compile_context>

<pallas_src>
import functools

import jax
import jax.numpy as jnp
from jax import lax
from jax.experimental import pallas as pl
from jax.experimental.pallas import tpu as pltpu
from jax.experimental.pallas import tpu_sc as plsc


_NC = 2
_NS = 16
_NW = _NC * _NS
_D = 8


def _sc_gather_body(b_per_w, chunk, table_hbm, idx_hbm, out_hbm, idx_a,
                    idx_b, rows_a, rows_b, sem_a, sem_b):
    wid = lax.axis_index("s") * _NC + lax.axis_index("c")
    base = wid * b_per_w

    def pair_body(i, carry):
        off_a = (2 * i) * chunk
        off_b = (2 * i + 1) * chunk
        pltpu.sync_copy(idx_hbm.at[pl.ds(base + off_a, chunk)], idx_a)
        cp_a = pltpu.async_copy(table_hbm.at[idx_a], rows_a, sem_a)
        pltpu.sync_copy(idx_hbm.at[pl.ds(base + off_b, chunk)], idx_b)
        cp_b = pltpu.async_copy(table_hbm.at[idx_b], rows_b, sem_b)
        cp_a.wait()
        pltpu.sync_copy(rows_a, out_hbm.at[pl.ds(base + off_a, chunk)])
        cp_b.wait()
        pltpu.sync_copy(rows_b, out_hbm.at[pl.ds(base + off_b, chunk)])
        return carry

    lax.fori_loop(0, b_per_w // (2 * chunk), pair_body, 0)


def _gather_call(table, idx):
    b = idx.shape[0]
    assert b % (16 * _NW) == 0
    b_per_w = b // _NW
    chunk = 5000
    assert b_per_w % (2 * chunk) == 0 and chunk % 8 == 0
    mesh = plsc.VectorSubcoreMesh(core_axis_name="c", subcore_axis_name="s",
                                  num_cores=_NC)
    f = pl.kernel(
        functools.partial(_sc_gather_body, b_per_w, chunk),
        out_type=jax.ShapeDtypeStruct((b, _D), jnp.float32),
        mesh=mesh,
        scratch_types=[
            pltpu.VMEM((chunk,), jnp.int32),
            pltpu.VMEM((chunk,), jnp.int32),
            pltpu.VMEM((chunk, _D), jnp.float32),
            pltpu.VMEM((chunk, _D), jnp.float32),
            pltpu.SemaphoreType.DMA,
            pltpu.SemaphoreType.DMA,
        ],
        compiler_params=pltpu.CompilerParams(use_tc_tiling_on_sc=False),
    )
    return f(table, idx)




def _qmul(a, b):
    x1, y1, z1, w1 = a
    x2, y2, z2, w2 = b
    return (
        w1 * x2 + x1 * w2 + y1 * z2 - z1 * y2,
        w1 * y2 - x1 * z2 + y1 * w2 + z1 * x2,
        w1 * z2 + x1 * y2 - y1 * x2 + z1 * w2,
        w1 * w2 - x1 * x2 - y1 * y2 - z1 * z2,
    )


def _cross(a, b):
    a1, a2, a3 = a
    b1, b2, b3 = b
    return (a2 * b3 - a3 * b2, a3 * b1 - a1 * b3, a1 * b2 - a2 * b1)


def _qrot(q, v):
    x, y, z, w = q
    qv = (x, y, z)
    t = _cross(qv, v)
    t = (2.0 * t[0], 2.0 * t[1], 2.0 * t[2])
    c = _cross(qv, t)
    return (v[0] + w * t[0] + c[0], v[1] + w * t[1] + c[1], v[2] + w * t[2] + c[2])


def _so3_log_parts(q):
    x, y, z, w = q
    n2 = x * x + y * y + z * z
    n = jnp.sqrt(n2 + 1e-12)
    angle = 2.0 * jnp.arctan2(n, w)
    s = angle / n
    return (x * s, y * s, z * s), n2, n, w


def _pg_math(pt, pq, t1, q1, t2, q2):
    qa = (-pq[0], -pq[1], -pq[2], pq[3])
    ra = _qrot(qa, pt)
    ta = (-ra[0], -ra[1], -ra[2])
    qb = (-q1[0], -q1[1], -q1[2], q1[3])
    rb = _qrot(qb, t1)
    tb = (-rb[0], -rb[1], -rb[2])
    rab = _qrot(qa, tb)
    tc = (ta[0] + rab[0], ta[1] + rab[1], ta[2] + rab[2])
    qc = _qmul(qa, qb)
    rc2 = _qrot(qc, t2)
    te = (tc[0] + rc2[0], tc[1] + rc2[1], tc[2] + rc2[2])
    qe = _qmul(qc, q2)
    phi, _, n, w = _so3_log_parts(qe)
    theta2 = phi[0] * phi[0] + phi[1] * phi[1] + phi[2] * phi[2]
    theta = jnp.sqrt(theta2 + 1e-12)
    small = theta < 1e-3
    ts = jnp.where(small, 1.0, theta)
    coef = jnp.where(small, 1.0 / 12.0, (1.0 - ts * (w / (2.0 * n))) / (ts * ts))
    pxt = _cross(phi, te)
    cpp = _cross(phi, pxt)
    tau = (
        te[0] - 0.5 * pxt[0] + coef * cpp[0],
        te[1] - 0.5 * pxt[1] + coef * cpp[1],
        te[2] - 0.5 * pxt[2] + coef * cpp[2],
    )
    return tau, phi


def _tc_pg_body(g_ref, o_ref):
    rb = g_ref.shape[0]
    t = g_ref[...].T
    t3 = t.reshape(4, 32, rb)

    def comp(slot, c):
        return t3[:, 8 * slot + c, :]

    t1 = (comp(0, 0), comp(0, 1), comp(0, 2))
    q1 = (comp(0, 3), comp(0, 4), comp(0, 5), comp(0, 6))
    t2 = (comp(1, 0), comp(1, 1), comp(1, 2))
    q2 = (comp(1, 3), comp(1, 4), comp(1, 5), comp(1, 6))
    pt = (comp(2, 0), comp(2, 1), comp(2, 2))
    pq = (comp(2, 3), comp(2, 4), comp(2, 5), comp(2, 6))
    tau, phi = _pg_math(pt, pq, t1, q1, t2, q2)
    z = jnp.zeros((4, rb), jnp.float32)
    cols = [tau[0], tau[1], tau[2], phi[0], phi[1], phi[2]] + [z] * 26
    o3 = jnp.stack(cols, axis=1)
    o_ref[...] = o3.reshape(128, rb).T


def _tc_pg_call(gview):
    r = gview.shape[0]
    rb = 640
    assert r % rb == 0
    return pl.pallas_call(
        _tc_pg_body,
        grid=(r // rb,),
        in_specs=[pl.BlockSpec((rb, 128), lambda i: (i, 0))],
        out_specs=pl.BlockSpec((rb, 128), lambda i: (i, 0)),
        out_shape=jax.ShapeDtypeStruct((r, 128), jnp.float32),
    )(gview)




def _tc_chain_body(n1_ref, n2_ref, dr_ref, dv_ref, dtr_ref, dt_ref, v1_ref,
                   v2_ref, adj_ref, rot_ref, tv_ref):
    q1 = (n1_ref[3], n1_ref[4], n1_ref[5], n1_ref[6])
    q2 = (n2_ref[3], n2_ref[4], n2_ref[5], n2_ref[6])
    dr = (dr_ref[0], dr_ref[1], dr_ref[2], dr_ref[3])
    for k in range(3):
        adj_ref[k] = dv_ref[k] - (v2_ref[k] - v1_ref[k])
    a = _qmul((-dr[0], -dr[1], -dr[2], dr[3]), (-q1[0], -q1[1], -q1[2], q1[3]))
    rerr = _qmul(a, q2)
    phi, _, _, _ = _so3_log_parts(rerr)
    rot_ref[0] = phi[0]
    rot_ref[1] = phi[1]
    rot_ref[2] = phi[2]
    dt = dt_ref[0]
    for k in range(3):
        tv_ref[k] = (n2_ref[k] - n1_ref[k]) - (v1_ref[k] * dt + dtr_ref[k])


def _tc_chain_call(n1, n2, dr, dv, dtr, dt, v1, v2):
    nb = n1.shape[1]
    shp = lambda c: jax.ShapeDtypeStruct((c, nb, 128), jnp.float32)
    return pl.pallas_call(
        _tc_chain_body,
        out_shape=(shp(3), shp(3), shp(3)),
    )(n1, n2, dr, dv, dtr, dt, v1, v2)




def _to_soa(a, rows_pad):
    m, c = a.shape
    ap = jnp.pad(a, ((0, rows_pad - m), (0, 0)))
    return ap.T.reshape(c, rows_pad // 128, 128)


def kernel(edges, poses, imu_drots, imu_dtrans, imu_dvels, dts, nodes, vels):
    e = edges.shape[0]
    n = nodes.shape[0]

    nodes8 = jnp.pad(nodes, ((0, 0), (0, _D - nodes.shape[1])))
    poses8 = jnp.pad(poses, ((0, 0), (0, _D - poses.shape[1])))
    table = jnp.concatenate([nodes8, poses8], axis=0)
    pose_row = n + jnp.arange(e, dtype=jnp.int32)
    idx = jnp.stack([edges[:, 0], edges[:, 1], pose_row, pose_row],
                    axis=1).reshape(4 * e)
    af = _gather_call(table, idx)

    gview = af.reshape(4 * e * _D // 128, 128)
    out = _tc_pg_call(gview)
    pgerr = out.reshape(e, 32)[:, :6]

    m = n - 1
    mp = ((m + 128 * 8 - 1) // (128 * 8)) * (128 * 8)
    n1 = _to_soa(nodes[:-1], mp)
    n2 = _to_soa(nodes[1:], mp)
    dr = _to_soa(imu_drots, mp)
    dv = _to_soa(imu_dvels, mp)
    dtr = _to_soa(imu_dtrans, mp)
    dt = _to_soa(dts, mp)
    v1 = _to_soa(vels[:-1], mp)
    v2 = _to_soa(vels[1:], mp)
    adj, rot, tv = _tc_chain_call(n1, n2, dr, dv, dtr, dt, v1, v2)
    adjvelerr = adj.reshape(3, mp).T[:m]
    imuroterr = rot.reshape(3, mp).T[:m]
    transvelerr = tv.reshape(3, mp).T[:m]

    return (pgerr, adjvelerr, imuroterr, transvelerr)

# --- scband reference (transcript-rebuilt; emitter-appended) ---
"""Pipeline reference for scband-pose-vel-graph-49581102465538 (READ-ONLY COPY).

The authoritative reference and input builder live on the scoring server;
editing this copy changes nothing except your own understanding.
"""

import jax, jax.numpy as jnp
import numpy as np

N = 50000
E = 1600000


def _norm_quat(q):
    return q / jnp.linalg.norm(q, axis=-1, keepdims=True)


def qmul(q1, q2):
    x1, y1, z1, w1 = q1[..., 0], q1[..., 1], q1[..., 2], q1[..., 3]
    x2, y2, z2, w2 = q2[..., 0], q2[..., 1], q2[..., 2], q2[..., 3]
    return jnp.stack([
        w1 * x2 + x1 * w2 + y1 * z2 - z1 * y2,
        w1 * y2 - x1 * z2 + y1 * w2 + z1 * x2,
        w1 * z2 + x1 * y2 - y1 * x2 + z1 * w2,
        w1 * w2 - x1 * x2 - y1 * y2 - z1 * z2,
    ], axis=-1)


def qconj(q):
    return jnp.concatenate([-q[..., :3], q[..., 3:4]], axis=-1)


def qrot(q, v):
    qv = q[..., :3]
    w = q[..., 3:4]
    t = 2.0 * jnp.cross(qv, v)
    return v + w * t + jnp.cross(qv, t)


def so3_log(q):
    v = q[..., :3]
    w = q[..., 3]
    n = jnp.sqrt(jnp.sum(v * v, axis=-1) + 1e-12)
    angle = 2.0 * jnp.arctan2(n, w)
    return v * (angle / n)[..., None]


def se3_inv(p):
    t, q = p[..., :3], p[..., 3:]
    qi = qconj(q)
    return jnp.concatenate([-qrot(qi, t), qi], axis=-1)


def se3_mul(a, b):
    ta, qa = a[..., :3], a[..., 3:]
    tb, qb = b[..., :3], b[..., 3:]
    return jnp.concatenate([ta + qrot(qa, tb), qmul(qa, qb)], axis=-1)


def se3_log(p):
    t, q = p[..., :3], p[..., 3:]
    phi = so3_log(q)
    theta2 = jnp.sum(phi * phi, axis=-1)
    theta = jnp.sqrt(theta2 + 1e-12)
    small = theta < 1e-3
    ts = jnp.where(small, 1.0, theta)
    coef = jnp.where(
        small,
        1.0 / 12.0,
        (1.0 - ts * jnp.sin(ts) / (2.0 * (1.0 - jnp.cos(ts)))) / (ts * ts),
    )
    pxt = jnp.cross(phi, t)
    tau = t - 0.5 * pxt + coef[..., None] * jnp.cross(phi, pxt)
    return jnp.concatenate([tau, phi], axis=-1)


def _rand_se3(key, n):
    k1, k2 = jax.random.split(key)
    t = jax.random.normal(k1, (n, 3), dtype=jnp.float32)
    q = _norm_quat(jax.random.normal(k2, (n, 4), dtype=jnp.float32))
    return jnp.concatenate([t, q], axis=-1)


def setup_inputs(seed: int = 0):
    key = jax.random.key(seed)
    ks = jax.random.split(key, 8)
    edges = jax.random.randint(ks[0], (E, 2), 0, N, dtype=jnp.int32)
    poses = _rand_se3(ks[1], E)
    nodes = _rand_se3(ks[2], N)
    vels = jax.random.normal(ks[3], (N, 3), dtype=jnp.float32)
    imu_drots = _norm_quat(jax.random.normal(ks[4], (N - 1, 4), dtype=jnp.float32))
    imu_dtrans = jax.random.normal(ks[5], (N - 1, 3), dtype=jnp.float32)
    imu_dvels = jax.random.normal(ks[6], (N - 1, 3), dtype=jnp.float32)
    dts = jax.random.uniform(ks[7], (N - 1, 1), dtype=jnp.float32) * 0.1 + 0.01
    return {"edges": edges, "poses": poses, "imu_drots": imu_drots,
            "imu_dtrans": imu_dtrans, "imu_dvels": imu_dvels, "dts": dts,
            "nodes": nodes, "vels": vels}


def reference(edges, poses, imu_drots, imu_dtrans, imu_dvels, dts, nodes, vels):
    node1 = nodes[edges[:, 0]]
    node2 = nodes[edges[:, 1]]
    err = se3_mul(se3_mul(se3_inv(poses), se3_inv(node1)), node2)
    pgerr = se3_log(err)
    adjvelerr = imu_dvels - jnp.diff(vels, axis=0)
    q1 = nodes[:-1, 3:]
    q2 = nodes[1:, 3:]
    rerr = qmul(qmul(qconj(imu_drots), qconj(q1)), q2)
    imuroterr = so3_log(rerr)
    transvelerr = jnp.diff(nodes[:, :3], axis=0) - (vels[:-1] * dts + imu_dtrans)
    return (pgerr, adjvelerr, imuroterr, transvelerr)

if __name__ == "__main__":
    import jax
    _d = setup_inputs()
    print(jax.jit(kernel)(*tuple(_d.values())))

</pallas_src>

<mosaic_0001>
#map = affine_map<(d0, d1) -> (0, 0)>
#map1 = affine_map<(d0, d1) -> (0)>
module attributes {stable_mosaic.version = 14 : i64} {
  func.func @_sc_gather_body(%arg0: i32, %arg1: i32, %arg2: memref<1650000x8xf32, #tpu.memory_space<hbm>>, %arg3: memref<6400000xi32, #tpu.memory_space<hbm>>, %arg4: memref<6400000x8xf32, #tpu.memory_space<hbm>>, %arg5: memref<5000xi32, #tpu.memory_space<vmem>>, %arg6: memref<5000xi32, #tpu.memory_space<vmem>>, %arg7: memref<5000x8xf32, #tpu.memory_space<vmem>>, %arg8: memref<5000x8xf32, #tpu.memory_space<vmem>>, %arg9: memref<!tpu.dma_semaphore, #tpu.memory_space<semaphore_mem>>, %arg10: memref<!tpu.dma_semaphore, #tpu.memory_space<semaphore_mem>>) attributes {dimension_semantics = [#tpu.dimension_semantics<core_parallel>, #tpu.dimension_semantics<subcore_parallel>], iteration_bounds = array<i64: 2, 16>, scalar_prefetch = 0 : i64, scratch_operands = 6 : i64, tpu.core_type = #tpu.core_type<sc_vector_subcore>, window_params = [{transform_indices = #map}, {transform_indices = #map1}, {transform_indices = #map}]} {
    %mul3A = arith.constant 2 : i32
    %mul3A_0 = arith.muli %arg1, %mul3A : i32
    %add3A = arith.addi %mul3A_0, %arg0 : i32
    %mul3A_1 = arith.constant 200000 : i32
    %mul3A_2 = arith.muli %add3A, %mul3A_1 : i32
    %scan3A = arith.constant 0 : i32
    %scan3A_3 = arith.constant 0 : i32
    %scan3A_4 = arith.constant 20 : i32
    %scan3A_5 = arith.addi %scan3A_3, %scan3A_4 : i32
    %scan3A_6 = arith.constant 1 : i32
    scf.for %scan3A_8 = %scan3A_3 to %scan3A_5 step %scan3A_6  : i32 {
      %mul3A_9 = arith.constant 2 : i32
      %mul3A_10 = arith.muli %mul3A_9, %scan3A_8 : i32
      %mul3A_11 = arith.constant 5000 : i32
      %mul3A_12 = arith.muli %mul3A_10, %mul3A_11 : i32
      %mul3A_13 = arith.constant 2 : i32
      %mul3A_14 = arith.muli %mul3A_13, %scan3A_8 : i32
      %add3A_15 = arith.constant 1 : i32
      %add3A_16 = arith.addi %mul3A_14, %add3A_15 : i32
      %mul3A_17 = arith.constant 5000 : i32
      %mul3A_18 = arith.muli %add3A_16, %mul3A_17 : i32
      %add3A_19 = arith.addi %mul3A_2, %mul3A_12 : i32
      "tpu.region"() ({
        %run_scoped3A = tpu.sem_alloc : memref<!tpu.dma_semaphore, #tpu.memory_space<semaphore_mem>>
        %dma_start3A_33 = tpu.memref_slice %arg3[%add3A_19] : memref<6400000xi32, #tpu.memory_space<hbm>> -> memref<5000xi32, #tpu.memory_space<hbm>>
        %dma_start3A_34 = tpu.memref_slice %arg3[%add3A_19] : memref<6400000xi32, #tpu.memory_space<hbm>> -> memref<5000xi32, #tpu.memory_space<hbm>>
        tpu.enqueue_dma source(%dma_start3A_34 : memref<5000xi32, #tpu.memory_space<hbm>>) target(%arg5 : memref<5000xi32, #tpu.memory_space<vmem>>) target_semaphore(%run_scoped3A : memref<!tpu.dma_semaphore, #tpu.memory_space<semaphore_mem>>)
        %dma_wait3A_35 = tpu.memref_slice %arg3[%add3A_19] : memref<6400000xi32, #tpu.memory_space<hbm>> -> memref<5000xi32, #tpu.memory_space<hbm>>
        %dma_wait3A_36 = tpu.memref_slice %arg3[%add3A_19] : memref<6400000xi32, #tpu.memory_space<hbm>> -> memref<5000xi32, #tpu.memory_space<hbm>>
        tpu.wait_dma2 semaphore(%run_scoped3A : memref<!tpu.dma_semaphore, #tpu.memory_space<semaphore_mem>>) src(%dma_wait3A_36 : memref<5000xi32, #tpu.memory_space<hbm>>) dst(%arg5 : memref<5000xi32, #tpu.memory_space<vmem>>)
        tpu.yield
      }) : () -> ()
      %dma_start3A = arith.constant 0 : i32
      %dma_start3A_20 = arith.constant 0 : i32
      %dma_start3A_21 = tpu.memref_slice %arg2[%dma_start3A, %dma_start3A_20] : memref<1650000x8xf32, #tpu.memory_space<hbm>> -> memref<1650000x8xf32, #tpu.memory_space<hbm>>
      tpu.enqueue_indirect_dma source(%dma_start3A_21 : memref<1650000x8xf32, #tpu.memory_space<hbm>>) target(%arg7 : memref<5000x8xf32, #tpu.memory_space<vmem>>) offsets(%arg5 : memref<5000xi32, #tpu.memory_space<vmem>>) semaphore(%arg9 : memref<!tpu.dma_semaphore, #tpu.memory_space<semaphore_mem>>)
      %add3A_22 = arith.addi %mul3A_2, %mul3A_18 : i32
      "tpu.region"() ({
        %run_scoped3A = tpu.sem_alloc : memref<!tpu.dma_semaphore, #tpu.memory_space<semaphore_mem>>
        %dma_start3A_33 = tpu.memref_slice %arg3[%add3A_22] : memref<6400000xi32, #tpu.memory_space<hbm>> -> memref<5000xi32, #tpu.memory_space<hbm>>
        %dma_start3A_34 = tpu.memref_slice %arg3[%add3A_22] : memref<6400000xi32, #tpu.memory_space<hbm>> -> memref<5000xi32, #tpu.memory_space<hbm>>
        tpu.enqueue_dma source(%dma_start3A_34 : memref<5000xi32, #tpu.memory_space<hbm>>) target(%arg6 : memref<5000xi32, #tpu.memory_space<vmem>>) target_semaphore(%run_scoped3A : memref<!tpu.dma_semaphore, #tpu.memory_space<semaphore_mem>>)
        %dma_wait3A_35 = tpu.memref_slice %arg3[%add3A_22] : memref<6400000xi32, #tpu.memory_space<hbm>> -> memref<5000xi32, #tpu.memory_space<hbm>>
        %dma_wait3A_36 = tpu.memref_slice %arg3[%add3A_22] : memref<6400000xi32, #tpu.memory_space<hbm>> -> memref<5000xi32, #tpu.memory_space<hbm>>
        tpu.wait_dma2 semaphore(%run_scoped3A : memref<!tpu.dma_semaphore, #tpu.memory_space<semaphore_mem>>) src(%dma_wait3A_36 : memref<5000xi32, #tpu.memory_space<hbm>>) dst(%arg6 : memref<5000xi32, #tpu.memory_space<vmem>>)
        tpu.yield
      }) : () -> ()
      %dma_start3A_23 = arith.constant 0 : i32
      %dma_start3A_24 = arith.constant 0 : i32
      %dma_start3A_25 = tpu.memref_slice %arg2[%dma_start3A_23, %dma_start3A_24] : memref<1650000x8xf32, #tpu.memory_space<hbm>> -> memref<1650000x8xf32, #tpu.memory_space<hbm>>
      tpu.enqueue_indirect_dma source(%dma_start3A_25 : memref<1650000x8xf32, #tpu.memory_space<hbm>>) target(%arg8 : memref<5000x8xf32, #tpu.memory_space<vmem>>) offsets(%arg6 : memref<5000xi32, #tpu.memory_space<vmem>>) semaphore(%arg10 : memref<!tpu.dma_semaphore, #tpu.memory_space<semaphore_mem>>)
      %dma_wait3A = arith.constant 0 : i32
      %dma_wait3A_26 = arith.constant 0 : i32
      %dma_wait3A_27 = tpu.memref_slice %arg2[%dma_wait3A, %dma_wait3A_26] : memref<1650000x8xf32, #tpu.memory_space<hbm>> -> memref<1650000x8xf32, #tpu.memory_space<hbm>>
      tpu.wait_indirect_dma semaphore(%arg9 : memref<!tpu.dma_semaphore, #tpu.memory_space<semaphore_mem>>) src(%dma_wait3A_27 : memref<1650000x8xf32, #tpu.memory_space<hbm>>) dst(%arg7 : memref<5000x8xf32, #tpu.memory_space<vmem>>)
      %add3A_28 = arith.addi %mul3A_2, %mul3A_12 : i32
      "tpu.region"() ({
        %run_scoped3A = tpu.sem_alloc : memref<!tpu.dma_semaphore, #tpu.memory_space<semaphore_mem>>
        %dma_start3A_33 = arith.constant 0 : i32
        %dma_start3A_34 = tpu.memref_slice %arg4[%add3A_28, %dma_start3A_33] : memref<6400000x8xf32, #tpu.memory_space<hbm>> -> memref<5000x8xf32, #tpu.memory_space<hbm>>
        %dma_start3A_35 = arith.constant 0 : i32
        %dma_start3A_36 = tpu.memref_slice %arg4[%add3A_28, %dma_start3A_35] : memref<6400000x8xf32, #tpu.memory_space<hbm>> -> memref<5000x8xf32, #tpu.memory_space<hbm>>
        tpu.enqueue_dma source(%arg7 : memref<5000x8xf32, #tpu.memory_space<vmem>>) target(%dma_start3A_36 : memref<5000x8xf32, #tpu.memory_space<hbm>>) target_semaphore(%run_scoped3A : memref<!tpu.dma_semaphore, #tpu.memory_space<semaphore_mem>>)
        %dma_wait3A_37 = arith.constant 0 : i32
        %dma_wait3A_38 = tpu.memref_slice %arg4[%add3A_28, %dma_wait3A_37] : memref<6400000x8xf32, #tpu.memory_space<hbm>> -> memref<5000x8xf32, #tpu.memory_space<hbm>>
        %dma_wait3A_39 = arith.constant 0 : i32
        %dma_wait3A_40 = tpu.memref_slice %arg4[%add3A_28, %dma_wait3A_39] : memref<6400000x8xf32, #tpu.memory_space<hbm>> -> memref<5000x8xf32, #tpu.memory_space<hbm>>
        tpu.wait_dma2 semaphore(%run_scoped3A : memref<!tpu.dma_semaphore, #tpu.memory_space<semaphore_mem>>) src(%arg7 : memref<5000x8xf32, #tpu.memory_space<vmem>>) dst(%dma_wait3A_40 : memref<5000x8xf32, #tpu.memory_space<hbm>>)
        tpu.yield
      }) : () -> ()
      %dma_wait3A_29 = arith.constant 0 : i32
      %dma_wait3A_30 = arith.constant 0 : i32
      %dma_wait3A_31 = tpu.memref_slice %arg2[%dma_wait3A_29, %dma_wait3A_30] : memref<1650000x8xf32, #tpu.memory_space<hbm>> -> memref<1650000x8xf32, #tpu.memory_space<hbm>>
      tpu.wait_indirect_dma semaphore(%arg10 : memref<!tpu.dma_semaphore, #tpu.memory_space<semaphore_mem>>) src(%dma_wait3A_31 : memref<1650000x8xf32, #tpu.memory_space<hbm>>) dst(%arg8 : memref<5000x8xf32, #tpu.memory_space<vmem>>)
      %add3A_32 = arith.addi %mul3A_2, %mul3A_18 : i32
      "tpu.region"() ({
        %run_scoped3A = tpu.sem_alloc : memref<!tpu.dma_semaphore, #tpu.memory_space<semaphore_mem>>
        %dma_start3A_33 = arith.constant 0 : i32
        %dma_start3A_34 = tpu.memref_slice %arg4[%add3A_32, %dma_start3A_33] : memref<6400000x8xf32, #tpu.memory_space<hbm>> -> memref<5000x8xf32, #tpu.memory_space<hbm>>
        %dma_start3A_35 = arith.constant 0 : i32
        %dma_start3A_36 = tpu.memref_slice %arg4[%add3A_32, %dma_start3A_35] : memref<6400000x8xf32, #tpu.memory_space<hbm>> -> memref<5000x8xf32, #tpu.memory_space<hbm>>
        tpu.enqueue_dma source(%arg8 : memref<5000x8xf32, #tpu.memory_space<vmem>>) target(%dma_start3A_36 : memref<5000x8xf32, #tpu.memory_space<hbm>>) target_semaphore(%run_scoped3A : memref<!tpu.dma_semaphore, #tpu.memory_space<semaphore_mem>>)
        %dma_wait3A_37 = arith.constant 0 : i32
        %dma_wait3A_38 = tpu.memref_slice %arg4[%add3A_32, %dma_wait3A_37] : memref<6400000x8xf32, #tpu.memory_space<hbm>> -> memref<5000x8xf32, #tpu.memory_space<hbm>>
        %dma_wait3A_39 = arith.constant 0 : i32
        %dma_wait3A_40 = tpu.memref_slice %arg4[%add3A_32, %dma_wait3A_39] : memref<6400000x8xf32, #tpu.memory_space<hbm>> -> memref<5000x8xf32, #tpu.memory_space<hbm>>
        tpu.wait_dma2 semaphore(%run_scoped3A : memref<!tpu.dma_semaphore, #tpu.memory_space<semaphore_mem>>) src(%arg8 : memref<5000x8xf32, #tpu.memory_space<vmem>>) dst(%dma_wait3A_40 : memref<5000x8xf32, #tpu.memory_space<hbm>>)
        tpu.yield
      }) : () -> ()
    }
    %scan3A_7 = arith.constant 20 : i32
    return
  }
}

module attributes {stable_mosaic.version = 14 : i64} {
  func.func @_tc_pg_body(%arg0: i32, %arg1: memref<640x128xf32, #tpu.memory_space<vmem>>, %arg2: memref<640x128xf32, #tpu.memory_space<vmem>>) attributes {dimension_semantics = [#tpu.dimension_semantics<arbitrary>], iteration_bounds = array<i64: 625>, scalar_prefetch = 0 : i64, scratch_operands = 0 : i64, tpu.core_type = #tpu.core_type<tc>, window_params = [{transform_indices = @transform_0, window_bounds = array<i64: 640, 128>}, {transform_indices = @transform_1, window_bounds = array<i64: 640, 128>}]} {
    %get3A = arith.constant 0 : index
    %get3A_0 = arith.constant 0 : index
    %get3A_1 = vector.load %arg1[%get3A, %get3A_0] : memref<640x128xf32, #tpu.memory_space<vmem>>, vector<640x128xf32>
    %transpose3A = tpu.transpose %get3A_1, [1, 0] : vector<640x128xf32> -> vector<128x640xf32>
    %reshape3A = vector.shape_cast %transpose3A : vector<128x640xf32> to vector<4x32x640xf32>
    %slice3A = vector.extract_strided_slice %reshape3A {offsets = [0, 0, 0], sizes = [4, 1, 640], strides = [1, 1, 1]} : vector<4x32x640xf32> to vector<4x1x640xf32>
    %squeeze3A = vector.shape_cast %slice3A : vector<4x1x640xf32> to vector<4x640xf32>
    %slice3A_2 = vector.extract_strided_slice %reshape3A {offsets = [0, 1, 0], sizes = [4, 1, 640], strides = [1, 1, 1]} : vector<4x32x640xf32> to vector<4x1x640xf32>
    %squeeze3A_3 = vector.shape_cast %slice3A_2 : vector<4x1x640xf32> to vector<4x640xf32>
    %slice3A_4 = vector.extract_strided_slice %reshape3A {offsets = [0, 2, 0], sizes = [4, 1, 640], strides = [1, 1, 1]} : vector<4x32x640xf32> to vector<4x1x640xf32>
    %squeeze3A_5 = vector.shape_cast %slice3A_4 : vector<4x1x640xf32> to vector<4x640xf32>
    %slice3A_6 = vector.extract_strided_slice %reshape3A {offsets = [0, 3, 0], sizes = [4, 1, 640], strides = [1, 1, 1]} : vector<4x32x640xf32> to vector<4x1x640xf32>
    %squeeze3A_7 = vector.shape_cast %slice3A_6 : vector<4x1x640xf32> to vector<4x640xf32>
    %slice3A_8 = vector.extract_strided_slice %reshape3A {offsets = [0, 4, 0], sizes = [4, 1, 640], strides = [1, 1, 1]} : vector<4x32x640xf32> to vector<4x1x640xf32>
    %squeeze3A_9 = vector.shape_cast %slice3A_8 : vector<4x1x640xf32> to vector<4x640xf32>
    %slice3A_10 = vector.extract_strided_slice %reshape3A {offsets = [0, 5, 0], sizes = [4, 1, 640], strides = [1, 1, 1]} : vector<4x32x640xf32> to vector<4x1x640xf32>
    %squeeze3A_11 = vector.shape_cast %slice3A_10 : vector<4x1x640xf32> to vector<4x640xf32>
    %slice3A_12 = vector.extract_strided_slice %reshape3A {offsets = [0, 6, 0], sizes = [4, 1, 640], strides = [1, 1, 1]} : vector<4x32x640xf32> to vector<4x1x640xf32>
    %squeeze3A_13 = vector.shape_cast %slice3A_12 : vector<4x1x640xf32> to vector<4x640xf32>
    %slice3A_14 = vector.extract_strided_slice %reshape3A {offsets = [0, 8, 0], sizes = [4, 1, 640], strides = [1, 1, 1]} : vector<4x32x640xf32> to vector<4x1x640xf32>
    %squeeze3A_15 = vector.shape_cast %slice3A_14 : vector<4x1x640xf32> to vector<4x640xf32>
    %slice3A_16 = vector.extract_strided_slice %reshape3A {offsets = [0, 9, 0], sizes = [4, 1, 640], strides = [1, 1, 1]} : vector<4x32x640xf32> to vector<4x1x640xf32>
    %squeeze3A_17 = vector.shape_cast %slice3A_16 : vector<4x1x640xf32> to vector<4x640xf32>
    %slice3A_18 = vector.extract_strided_slice %reshape3A {offsets = [0, 10, 0], sizes = [4, 1, 640], strides = [1, 1, 1]} : vector<4x32x640xf32> to vector<4x1x640xf32>
    %squeeze3A_19 = vector.shape_cast %slice3A_18 : vector<4x1x640xf32> to vector<4x640xf32>
    %slice3A_20 = vector.extract_strided_slice %reshape3A {offsets = [0, 11, 0], sizes = [4, 1, 640], strides = [1, 1, 1]} : vector<4x32x640xf32> to vector<4x1x640xf32>
    %squeeze3A_21 = vector.shape_cast %slice3A_20 : vector<4x1x640xf32> to vector<4x640xf32>
    %slice3A_22 = vector.extract_strided_slice %reshape3A {offsets = [0, 12, 0], sizes = [4, 1, 640], strides = [1, 1, 1]} : vector<4x32x640xf32> to vector<4x1x640xf32>
    %squeeze3A_23 = vector.shape_cast %slice3A_22 : vector<4x1x640xf32> to vector<4x640xf32>
    %slice3A_24 = vector.extract_strided_slice %reshape3A {offsets = [0, 13, 0], sizes = [4, 1, 640], strides = [1, 1, 1]} : vector<4x32x640xf32> to vector<4x1x640xf32>
    %squeeze3A_25 = vector.shape_cast %slice3A_24 : vector<4x1x640xf32> to vector<4x640xf32>
    %slice3A_26 = vector.extract_strided_slice %reshape3A {offsets = [0, 14, 0], sizes = [4, 1, 640], strides = [1, 1, 1]} : vector<4x32x640xf32> to vector<4x1x640xf32>
    %squeeze3A_27 = vector.shape_cast %slice3A_26 : vector<4x1x640xf32> to vector<4x640xf32>
    %slice3A_28 = vector.extract_strided_slice %reshape3A {offsets = [0, 16, 0], sizes = [4, 1, 640], strides = [1, 1, 1]} : vector<4x32x640xf32> to vector<4x1x640xf32>
    %squeeze3A_29 = vector.shape_cast %slice3A_28 : vector<4x1x640xf32> to vector<4x640xf32>
    %slice3A_30 = vector.extract_strided_slice %reshape3A {offsets = [0, 17, 0], sizes = [4, 1, 640], strides = [1, 1, 1]} : vector<4x32x640xf32> to vector<4x1x640xf32>
    %squeeze3A_31 = vector.shape_cast %slice3A_30 : vector<4x1x640xf32> to vector<4x640xf32>
    %slice3A_32 = vector.extract_strided_slice %reshape3A {offsets = [0, 18, 0], sizes = [4, 1, 640], strides = [1, 1, 1]} : vector<4x32x640xf32> to vector<4x1x640xf32>
    %squeeze3A_33 = vector.shape_cast %slice3A_32 : vector<4x1x640xf32> to vector<4x640xf32>
    %slice3A_34 = vector.extract_strided_slice %reshape3A {offsets = [0, 19, 0], sizes = [4, 1, 640], strides = [1, 1, 1]} : vector<4x32x640xf32> to vector<4x1x640xf32>
    %squeeze3A_35 = vector.shape_cast %slice3A_34 : vector<4x1x640xf32> to vector<4x640xf32>
    %slice3A_36 = vector.extract_strided_slice %reshape3A {offsets = [0, 20, 0], sizes = [4, 1, 640], strides = [1, 1, 1]} : vector<4x32x640xf32> to vector<4x1x640xf32>
    %squeeze3A_37 = vector.shape_cast %slice3A_36 : vector<4x1x640xf32> to vector<4x640xf32>
    %slice3A_38 = vector.extract_strided_slice %reshape3A {offsets = [0, 21, 0], sizes = [4, 1, 640], strides = [1, 1, 1]} : vector<4x32x640xf32> to vector<4x1x640xf32>
    %squeeze3A_39 = vector.shape_cast %slice3A_38 : vector<4x1x640xf32> to vector<4x640xf32>
    %slice3A_40 = vector.extract_strided_slice %reshape3A {offsets = [0, 22, 0], sizes = [4, 1, 640], strides = [1, 1, 1]} : vector<4x32x640xf32> to vector<4x1x640xf32>
    %squeeze3A_41 = vector.shape_cast %slice3A_40 : vector<4x1x640xf32> to vector<4x640xf32>
    %neg3A = arith.constant 0.000000e+00 : f32
    %neg3A_42 = vector.broadcast %neg3A : f32 to vector<4x640xf32>
    %neg3A_43 = arith.subf %neg3A_42, %squeeze3A_35 : vector<4x640xf32>
    %neg3A_44 = arith.constant 0.000000e+00 : f32
    %neg3A_45 = vector.broadcast %neg3A_44 : f32 to vector<4x640xf32>
    %neg3A_46 = arith.subf %neg3A_45, %squeeze3A_37 : vector<4x640xf32>
    %neg3A_47 = arith.constant 0.000000e+00 : f32
    %neg3A_48 = vector.broadcast %neg3A_47 : f32 to vector<4x640xf32>
    %neg3A_49 = arith.subf %neg3A_48, %squeeze3A_39 : vector<4x640xf32>
    %mul3A = arith.mulf %neg3A_46, %squeeze3A_33 : vector<4x640xf32>
    %mul3A_50 = arith.mulf %neg3A_49, %squeeze3A_31 : vector<4x640xf32>
    %sub3A = arith.subf %mul3A, %mul3A_50 : vector<4x640xf32>
    %mul3A_51 = arith.mulf %neg3A_49, %squeeze3A_29 : vector<4x640xf32>
    %mul3A_52 = arith.mulf %neg3A_43, %squeeze3A_33 : vector<4x640xf32>
    %sub3A_53 = arith.subf %mul3A_51, %mul3A_52 : vector<4x640xf32>
    %mul3A_54 = arith.mulf %neg3A_43, %squeeze3A_31 : vector<4x640xf32>
    %mul3A_55 = arith.mulf %neg3A_46, %squeeze3A_29 : vector<4x640xf32>
    %sub3A_56 = arith.subf %mul3A_54, %mul3A_55 : vector<4x640xf32>
    %mul3A_57 = arith.constant 2.000000e+00 : f32
    %mul3A_58 = vector.broadcast %mul3A_57 : f32 to vector<4x640xf32>
    %mul3A_59 = arith.mulf %mul3A_58, %sub3A : vector<4x640xf32>
    %mul3A_60 = arith.constant 2.000000e+00 : f32
    %mul3A_61 = vector.broadcast %mul3A_60 : f32 to vector<4x640xf32>
    %mul3A_62 = arith.mulf %mul3A_61, %sub3A_53 : vector<4x640xf32>
    %mul3A_63 = arith.constant 2.000000e+00 : f32
    %mul3A_64 = vector.broadcast %mul3A_63 : f32 to vector<4x640xf32>
    %mul3A_65 = arith.mulf %mul3A_64, %sub3A_56 : vector<4x640xf32>
    %mul3A_66 = arith.mulf %neg3A_46, %mul3A_65 : vector<4x640xf32>
    %mul3A_67 = arith.mulf %neg3A_49, %mul3A_62 : vector<4x640xf32>
    %sub3A_68 = arith.subf %mul3A_66, %mul3A_67 : vector<4x640xf32>
    %mul3A_69 = arith.mulf %neg3A_49, %mul3A_59 : vector<4x640xf32>
    %mul3A_70 = arith.mulf %neg3A_43, %mul3A_65 : vector<4x640xf32>
    %sub3A_71 = arith.subf %mul3A_69, %mul3A_70 : vector<4x640xf32>
    %mul3A_72 = arith.mulf %neg3A_43, %mul3A_62 : vector<4x640xf32>
    %mul3A_73 = arith.mulf %neg3A_46, %mul3A_59 : vector<4x640xf32>
    %sub3A_74 = arith.subf %mul3A_72, %mul3A_73 : vector<4x640xf32>
    %mul3A_75 = arith.mulf %squeeze3A_41, %mul3A_59 : vector<4x640xf32>
    %add3A = arith.addf %squeeze3A_29, %mul3A_75 : vector<4x640xf32>
    %add3A_76 = arith.addf %add3A, %sub3A_68 : vector<4x640xf32>
    %mul3A_77 = arith.mulf %squeeze3A_41, %mul3A_62 : vector<4x640xf32>
    %add3A_78 = arith.addf %squeeze3A_31, %mul3A_77 : vector<4x640xf32>
    %add3A_79 = arith.addf %add3A_78, %sub3A_71 : vector<4x640xf32>
    %mul3A_80 = arith.mulf %squeeze3A_41, %mul3A_65 : vector<4x640xf32>
    %add3A_81 = arith.addf %squeeze3A_33, %mul3A_80 : vector<4x640xf32>
    %add3A_82 = arith.addf %add3A_81, %sub3A_74 : vector<4x640xf32>
    %neg3A_83 = arith.constant 0.000000e+00 : f32
    %neg3A_84 = vector.broadcast %neg3A_83 : f32 to vector<4x640xf32>
    %neg3A_85 = arith.subf %neg3A_84, %add3A_76 : vector<4x640xf32>
    %neg3A_86 = arith.constant 0.000000e+00 : f32
    %neg3A_87 = vector.broadcast %neg3A_86 : f32 to vector<4x640xf32>
    %neg3A_88 = arith.subf %neg3A_87, %add3A_79 : vector<4x640xf32>
    %neg3A_89 = arith.constant 0.000000e+00 : f32
    %neg3A_90 = vector.broadcast %neg3A_89 : f32 to vector<4x640xf32>
    %neg3A_91 = arith.subf %neg3A_90, %add3A_82 : vector<4x640xf32>
    %neg3A_92 = arith.constant 0.000000e+00 : f32
    %neg3A_93 = vector.broadcast %neg3A_92 : f32 to vector<4x640xf32>
    %neg3A_94 = arith.subf %neg3A_93, %squeeze3A_7 : vector<4x640xf32>
    %neg3A_95 = arith.constant 0.000000e+00 : f32
    %neg3A_96 = vector.broadcast %neg3A_95 : f32 to vector<4x640xf32>
    %neg3A_97 = arith.subf %neg3A_96, %squeeze3A_9 : vector<4x640xf32>
    %neg3A_98 = arith.constant 0.000000e+00 : f32
    %neg3A_99 = vector.broadcast %neg3A_98 : f32 to vector<4x640xf32>
    %neg3A_100 = arith.subf %neg3A_99, %squeeze3A_11 : vector<4x640xf32>
    %mul3A_101 = arith.mulf %neg3A_97, %squeeze3A_5 : vector<4x640xf32>
    %mul3A_102 = arith.mulf %neg3A_100, %squeeze3A_3 : vector<4x640xf32>
    %sub3A_103 = arith.subf %mul3A_101, %mul3A_102 : vector<4x640xf32>
    %mul3A_104 = arith.mulf %neg3A_100, %squeeze3A : vector<4x640xf32>
    %mul3A_105 = arith.mulf %neg3A_94, %squeeze3A_5 : vector<4x640xf32>
    %sub3A_106 = arith.subf %mul3A_104, %mul3A_105 : vector<4x640xf32>
    %mul3A_107 = arith.mulf %neg3A_94, %squeeze3A_3 : vector<4x640xf32>
    %mul3A_108 = arith.mulf %neg3A_97, %squeeze3A : vector<4x640xf32>
    %sub3A_109 = arith.subf %mul3A_107, %mul3A_108 : vector<4x640xf32>
    %mul3A_110 = arith.constant 2.000000e+00 : f32
    %mul3A_111 = vector.broadcast %mul3A_110 : f32 to vector<4x640xf32>
    %mul3A_112 = arith.mulf %mul3A_111, %sub3A_103 : vector<4x640xf32>
    %mul3A_113 = arith.constant 2.000000e+00 : f32
    %mul3A_114 = vector.broadcast %mul3A_113 : f32 to vector<4x640xf32>
    %mul3A_115 = arith.mulf %mul3A_114, %sub3A_106 : vector<4x640xf32>
    %mul3A_116 = arith.constant 2.000000e+00 : f32
    %mul3A_117 = vector.broadcast %mul3A_116 : f32 to vector<4x640xf32>
    %mul3A_118 = arith.mulf %mul3A_117, %sub3A_109 : vector<4x640xf32>
    %mul3A_119 = arith.mulf %neg3A_97, %mul3A_118 : vector<4x640xf32>
    %mul3A_120 = arith.mulf %neg3A_100, %mul3A_115 : vector<4x640xf32>
    %sub3A_121 = arith.subf %mul3A_119, %mul3A_120 : vector<4x640xf32>
    %mul3A_122 = arith.mulf %neg3A_100, %mul3A_112 : vector<4x640xf32>
    %mul3A_123 = arith.mulf %neg3A_94, %mul3A_118 : vector<4x640xf32>
    %sub3A_124 = arith.subf %mul3A_122, %mul3A_123 : vector<4x640xf32>
    %mul3A_125 = arith.mulf %neg3A_94, %mul3A_115 : vector<4x640xf32>
    %mul3A_126 = arith.mulf %neg3A_97, %mul3A_112 : vector<4x640xf32>
    %sub3A_127 = arith.subf %mul3A_125, %mul3A_126 : vector<4x640xf32>
    %mul3A_128 = arith.mulf %squeeze3A_13, %mul3A_112 : vector<4x640xf32>
    %add3A_129 = arith.addf %squeeze3A, %mul3A_128 : vector<4x640xf32>
    %add3A_130 = arith.addf %add3A_129, %sub3A_121 : vector<4x640xf32>
    %mul3A_131 = arith.mulf %squeeze3A_13, %mul3A_115 : vector<4x640xf32>
    %add3A_132 = arith.addf %squeeze3A_3, %mul3A_131 : vector<4x640xf32>
    %add3A_133 = arith.addf %add3A_132, %sub3A_124 : vector<4x640xf32>
    %mul3A_134 = arith.mulf %squeeze3A_13, %mul3A_118 : vector<4x640xf32>
    %add3A_135 = arith.addf %squeeze3A_5, %mul3A_134 : vector<4x640xf32>
    %add3A_136 = arith.addf %add3A_135, %sub3A_127 : vector<4x640xf32>
    %neg3A_137 = arith.constant 0.000000e+00 : f32
    %neg3A_138 = vector.broadcast %neg3A_137 : f32 to vector<4x640xf32>
    %neg3A_139 = arith.subf %neg3A_138, %add3A_130 : vector<4x640xf32>
    %neg3A_140 = arith.constant 0.000000e+00 : f32
    %neg3A_141 = vector.broadcast %neg3A_140 : f32 to vector<4x640xf32>
    %neg3A_142 = arith.subf %neg3A_141, %add3A_133 : vector<4x640xf32>
    %neg3A_143 = arith.constant 0.000000e+00 : f32
    %neg3A_144 = vector.broadcast %neg3A_143 : f32 to vector<4x640xf32>
    %neg3A_145 = arith.subf %neg3A_144, %add3A_136 : vector<4x640xf32>
    %mul3A_146 = arith.mulf %neg3A_46, %neg3A_145 : vector<4x640xf32>
    %mul3A_147 = arith.mulf %neg3A_49, %neg3A_142 : vector<4x640xf32>
    %sub3A_148 = arith.subf %mul3A_146, %mul3A_147 : vector<4x640xf32>
    %mul3A_149 = arith.mulf %neg3A_49, %neg3A_139 : vector<4x640xf32>
    %mul3A_150 = arith.mulf %neg3A_43, %neg3A_145 : vector<4x640xf32>
    %sub3A_151 = arith.subf %mul3A_149, %mul3A_150 : vector<4x640xf32>
    %mul3A_152 = arith.mulf %neg3A_43, %neg3A_142 : vector<4x640xf32>
    %mul3A_153 = arith.mulf %neg3A_46, %neg3A_139 : vector<4x640xf32>
    %sub3A_154 = arith.subf %mul3A_152, %mul3A_153 : vector<4x640xf32>
    %mul3A_155 = arith.constant 2.000000e+00 : f32
    %mul3A_156 = vector.broadcast %mul3A_155 : f32 to vector<4x640xf32>
    %mul3A_157 = arith.mulf %mul3A_156, %sub3A_148 : vector<4x640xf32>
    %mul3A_158 = arith.constant 2.000000e+00 : f32
    %mul3A_159 = vector.broadcast %mul3A_158 : f32 to vector<4x640xf32>
    %mul3A_160 = arith.mulf %mul3A_159, %sub3A_151 : vector<4x640xf32>
    %mul3A_161 = arith.constant 2.000000e+00 : f32
    %mul3A_162 = vector.broadcast %mul3A_161 : f32 to vector<4x640xf32>
    %mul3A_163 = arith.mulf %mul3A_162, %sub3A_154 : vector<4x640xf32>
    %mul3A_164 = arith.mulf %neg3A_46, %mul3A_163 : vector<4x640xf32>
    %mul3A_165 = arith.mulf %neg3A_49, %mul3A_160 : vector<4x640xf32>
    %sub3A_166 = arith.subf %mul3A_164, %mul3A_165 : vector<4x640xf32>
    %mul3A_167 = arith.mulf %neg3A_49, %mul3A_157 : vector<4x640xf32>
    %mul3A_168 = arith.mulf %neg3A_43, %mul3A_163 : vector<4x640xf32>
    %sub3A_169 = arith.subf %mul3A_167, %mul3A_168 : vector<4x640xf32>
    %mul3A_170 = arith.mulf %neg3A_43, %mul3A_160 : vector<4x640xf32>
    %mul3A_171 = arith.mulf %neg3A_46, %mul3A_157 : vector<4x640xf32>
    %sub3A_172 = arith.subf %mul3A_170, %mul3A_171 : vector<4x640xf32>
    %mul3A_173 = arith.mulf %squeeze3A_41, %mul3A_157 : vector<4x640xf32>
    %add3A_174 = arith.addf %neg3A_139, %mul3A_173 : vector<4x640xf32>
    %add3A_175 = arith.addf %add3A_174, %sub3A_166 : vector<4x640xf32>
    %mul3A_176 = arith.mulf %squeeze3A_41, %mul3A_160 : vector<4x640xf32>
    %add3A_177 = arith.addf %neg3A_142, %mul3A_176 : vector<4x640xf32>
    %add3A_178 = arith.addf %add3A_177, %sub3A_169 : vector<4x640xf32>
    %mul3A_179 = arith.mulf %squeeze3A_41, %mul3A_163 : vector<4x640xf32>
    %add3A_180 = arith.addf %neg3A_145, %mul3A_179 : vector<4x640xf32>
    %add3A_181 = arith.addf %add3A_180, %sub3A_172 : vector<4x640xf32>
    %add3A_182 = arith.addf %neg3A_85, %add3A_175 : vector<4x640xf32>
    %add3A_183 = arith.addf %neg3A_88, %add3A_178 : vector<4x640xf32>
    %add3A_184 = arith.addf %neg3A_91, %add3A_181 : vector<4x640xf32>
    %mul3A_185 = arith.mulf %squeeze3A_41, %neg3A_94 : vector<4x640xf32>
    %mul3A_186 = arith.mulf %neg3A_43, %squeeze3A_13 : vector<4x640xf32>
    %add3A_187 = arith.addf %mul3A_185, %mul3A_186 : vector<4x640xf32>
    %mul3A_188 = arith.mulf %neg3A_46, %neg3A_100 : vector<4x640xf32>
    %add3A_189 = arith.addf %add3A_187, %mul3A_188 : vector<4x640xf32>
    %mul3A_190 = arith.mulf %neg3A_49, %neg3A_97 : vector<4x640xf32>
    %sub3A_191 = arith.subf %add3A_189, %mul3A_190 : vector<4x640xf32>
    %mul3A_192 = arith.mulf %squeeze3A_41, %neg3A_97 : vector<4x640xf32>
    %mul3A_193 = arith.mulf %neg3A_43, %neg3A_100 : vector<4x640xf32>
    %sub3A_194 = arith.subf %mul3A_192, %mul3A_193 : vector<4x640xf32>
    %mul3A_195 = arith.mulf %neg3A_46, %squeeze3A_13 : vector<4x640xf32>
    %add3A_196 = arith.addf %sub3A_194, %mul3A_195 : vector<4x640xf32>
    %mul3A_197 = arith.mulf %neg3A_49, %neg3A_94 : vector<4x640xf32>
    %add3A_198 = arith.addf %add3A_196, %mul3A_197 : vector<4x640xf32>
    %mul3A_199 = arith.mulf %squeeze3A_41, %neg3A_100 : vector<4x640xf32>
    %mul3A_200 = arith.mulf %neg3A_43, %neg3A_97 : vector<4x640xf32>
    %add3A_201 = arith.addf %mul3A_199, %mul3A_200 : vector<4x640xf32>
    %mul3A_202 = arith.mulf %neg3A_46, %neg3A_94 : vector<4x640xf32>
    %sub3A_203 = arith.subf %add3A_201, %mul3A_202 : vector<4x640xf32>
    %mul3A_204 = arith.mulf %neg3A_49, %squeeze3A_13 : vector<4x640xf32>
    %add3A_205 = arith.addf %sub3A_203, %mul3A_204 : vector<4x640xf32>
    %mul3A_206 = arith.mulf %squeeze3A_41, %squeeze3A_13 : vector<4x640xf32>
    %mul3A_207 = arith.mulf %neg3A_43, %neg3A_94 : vector<4x640xf32>
    %sub3A_208 = arith.subf %mul3A_206, %mul3A_207 : vector<4x640xf32>
    %mul3A_209 = arith.mulf %neg3A_46, %neg3A_97 : vector<4x640xf32>
    %sub3A_210 = arith.subf %sub3A_208, %mul3A_209 : vector<4x640xf32>
    %mul3A_211 = arith.mulf %neg3A_49, %neg3A_100 : vector<4x640xf32>
    %sub3A_212 = arith.subf %sub3A_210, %mul3A_211 : vector<4x640xf32>
    %mul3A_213 = arith.mulf %add3A_198, %squeeze3A_19 : vector<4x640xf32>
    %mul3A_214 = arith.mulf %add3A_205, %squeeze3A_17 : vector<4x640xf32>
    %sub3A_215 = arith.subf %mul3A_213, %mul3A_214 : vector<4x640xf32>
    %mul3A_216 = arith.mulf %add3A_205, %squeeze3A_15 : vector<4x640xf32>
    %mul3A_217 = arith.mulf %sub3A_191, %squeeze3A_19 : vector<4x640xf32>
    %sub3A_218 = arith.subf %mul3A_216, %mul3A_217 : vector<4x640xf32>
    %mul3A_219 = arith.mulf %sub3A_191, %squeeze3A_17 : vector<4x640xf32>
    %mul3A_220 = arith.mulf %add3A_198, %squeeze3A_15 : vector<4x640xf32>
    %sub3A_221 = arith.subf %mul3A_219, %mul3A_220 : vector<4x640xf32>
    %mul3A_222 = arith.constant 2.000000e+00 : f32
    %mul3A_223 = vector.broadcast %mul3A_222 : f32 to vector<4x640xf32>
    %mul3A_224 = arith.mulf %mul3A_223, %sub3A_215 : vector<4x640xf32>
    %mul3A_225 = arith.constant 2.000000e+00 : f32
    %mul3A_226 = vector.broadcast %mul3A_225 : f32 to vector<4x640xf32>
    %mul3A_227 = arith.mulf %mul3A_226, %sub3A_218 : vector<4x640xf32>
    %mul3A_228 = arith.constant 2.000000e+00 : f32
    %mul3A_229 = vector.broadcast %mul3A_228 : f32 to vector<4x640xf32>
    %mul3A_230 = arith.mulf %mul3A_229, %sub3A_221 : vector<4x640xf32>
    %mul3A_231 = arith.mulf %add3A_198, %mul3A_230 : vector<4x640xf32>
    %mul3A_232 = arith.mulf %add3A_205, %mul3A_227 : vector<4x640xf32>
    %sub3A_233 = arith.subf %mul3A_231, %mul3A_232 : vector<4x640xf32>
    %mul3A_234 = arith.mulf %add3A_205, %mul3A_224 : vector<4x640xf32>
    %mul3A_235 = arith.mulf %sub3A_191, %mul3A_230 : vector<4x640xf32>
    %sub3A_236 = arith.subf %mul3A_234, %mul3A_235 : vector<4x640xf32>
    %mul3A_237 = arith.mulf %sub3A_191, %mul3A_227 : vector<4x640xf32>
    %mul3A_238 = arith.mulf %add3A_198, %mul3A_224 : vector<4x640xf32>
    %sub3A_239 = arith.subf %mul3A_237, %mul3A_238 : vector<4x640xf32>
    %mul3A_240 = arith.mulf %sub3A_212, %mul3A_224 : vector<4x640xf32>
    %add3A_241 = arith.addf %squeeze3A_15, %mul3A_240 : vector<4x640xf32>
    %add3A_242 = arith.addf %add3A_241, %sub3A_233 : vector<4x640xf32>
    %mul3A_243 = arith.mulf %sub3A_212, %mul3A_227 : vector<4x640xf32>
    %add3A_244 = arith.addf %squeeze3A_17, %mul3A_243 : vector<4x640xf32>
    %add3A_245 = arith.addf %add3A_244, %sub3A_236 : vector<4x640xf32>
    %mul3A_246 = arith.mulf %sub3A_212, %mul3A_230 : vector<4x640xf32>
    %add3A_247 = arith.addf %squeeze3A_19, %mul3A_246 : vector<4x640xf32>
    %add3A_248 = arith.addf %add3A_247, %sub3A_239 : vector<4x640xf32>
    %add3A_249 = arith.addf %add3A_182, %add3A_242 : vector<4x640xf32>
    %add3A_250 = arith.addf %add3A_183, %add3A_245 : vector<4x640xf32>
    %add3A_251 = arith.addf %add3A_184, %add3A_248 : vector<4x640xf32>
    %mul3A_252 = arith.mulf %sub3A_212, %squeeze3A_21 : vector<4x640xf32>
    %mul3A_253 = arith.mulf %sub3A_191, %squeeze3A_27 : vector<4x640xf32>
    %add3A_254 = arith.addf %mul3A_252, %mul3A_253 : vector<4x640xf32>
    %mul3A_255 = arith.mulf %add3A_198, %squeeze3A_25 : vector<4x640xf32>
    %add3A_256 = arith.addf %add3A_254, %mul3A_255 : vector<4x640xf32>
    %mul3A_257 = arith.mulf %add3A_205, %squeeze3A_23 : vector<4x640xf32>
    %sub3A_258 = arith.subf %add3A_256, %mul3A_257 : vector<4x640xf32>
    %mul3A_259 = arith.mulf %sub3A_212, %squeeze3A_23 : vector<4x640xf32>
    %mul3A_260 = arith.mulf %sub3A_191, %squeeze3A_25 : vector<4x640xf32>
    %sub3A_261 = arith.subf %mul3A_259, %mul3A_260 : vector<4x640xf32>
    %mul3A_262 = arith.mulf %add3A_198, %squeeze3A_27 : vector<4x640xf32>
    %add3A_263 = arith.addf %sub3A_261, %mul3A_262 : vector<4x640xf32>
    %mul3A_264 = arith.mulf %add3A_205, %squeeze3A_21 : vector<4x640xf32>
    %add3A_265 = arith.addf %add3A_263, %mul3A_264 : vector<4x640xf32>
    %mul3A_266 = arith.mulf %sub3A_212, %squeeze3A_25 : vector<4x640xf32>
    %mul3A_267 = arith.mulf %sub3A_191, %squeeze3A_23 : vector<4x640xf32>
    %add3A_268 = arith.addf %mul3A_266, %mul3A_267 : vector<4x640xf32>
    %mul3A_269 = arith.mulf %add3A_198, %squeeze3A_21 : vector<4x640xf32>
    %sub3A_270 = arith.subf %add3A_268, %mul3A_269 : vector<4x640xf32>
    %mul3A_271 = arith.mulf %add3A_205, %squeeze3A_27 : vector<4x640xf32>
    %add3A_272 = arith.addf %sub3A_270, %mul3A_271 : vector<4x640xf32>
    %mul3A_273 = arith.mulf %sub3A_212, %squeeze3A_27 : vector<4x640xf32>
    %mul3A_274 = arith.mulf %sub3A_191, %squeeze3A_21 : vector<4x640xf32>
    %sub3A_275 = arith.subf %mul3A_273, %mul3A_274 : vector<4x640xf32>
    %mul3A_276 = arith.mulf %add3A_198, %squeeze3A_23 : vector<4x640xf32>
    %sub3A_277 = arith.subf %sub3A_275, %mul3A_276 : vector<4x640xf32>
    %mul3A_278 = arith.mulf %add3A_205, %squeeze3A_25 : vector<4x640xf32>
    %sub3A_279 = arith.subf %sub3A_277, %mul3A_278 : vector<4x640xf32>
    %mul3A_280 = arith.mulf %sub3A_258, %sub3A_258 : vector<4x640xf32>
    %mul3A_281 = arith.mulf %add3A_265, %add3A_265 : vector<4x640xf32>
    %add3A_282 = arith.addf %mul3A_280, %mul3A_281 : vector<4x640xf32>
    %mul3A_283 = arith.mulf %add3A_272, %add3A_272 : vector<4x640xf32>
    %add3A_284 = arith.addf %add3A_282, %mul3A_283 : vector<4x640xf32>
    %add3A_285 = arith.constant 9.99999996E-13 : f32
    %add3A_286 = vector.broadcast %add3A_285 : f32 to vector<4x640xf32>
    %add3A_287 = arith.addf %add3A_284, %add3A_286 : vector<4x640xf32>
    %sqrt3A = math.sqrt %add3A_287 : vector<4x640xf32>
    %atan23A = math.atan2 %sqrt3A, %sub3A_279 : vector<4x640xf32>
    %mul3A_288 = arith.constant 2.000000e+00 : f32
    %mul3A_289 = vector.broadcast %mul3A_288 : f32 to vector<4x640xf32>
    %mul3A_290 = arith.mulf %mul3A_289, %atan23A : vector<4x640xf32>
    %div3A = arith.divf %mul3A_290, %sqrt3A : vector<4x640xf32>
    %mul3A_291 = arith.mulf %sub3A_258, %div3A : vector<4x640xf32>
    %mul3A_292 = arith.mulf %add3A_265, %div3A : vector<4x640xf32>
    %mul3A_293 = arith.mulf %add3A_272, %div3A : vector<4x640xf32>
    %mul3A_294 = arith.mulf %mul3A_291, %mul3A_291 : vector<4x640xf32>
    %mul3A_295 = arith.mulf %mul3A_292, %mul3A_292 : vector<4x640xf32>
    %add3A_296 = arith.addf %mul3A_294, %mul3A_295 : vector<4x640xf32>
    %mul3A_297 = arith.mulf %mul3A_293, %mul3A_293 : vector<4x640xf32>
    %add3A_298 = arith.addf %add3A_296, %mul3A_297 : vector<4x640xf32>
    %add3A_299 = arith.constant 9.99999996E-13 : f32
    %add3A_300 = vector.broadcast %add3A_299 : f32 to vector<4x640xf32>
    %add3A_301 = arith.addf %add3A_298, %add3A_300 : vector<4x640xf32>
    %sqrt3A_302 = math.sqrt %add3A_301 : vector<4x640xf32>
    %lt3A = arith.constant 1.000000e-03 : f32
    %lt3A_303 = vector.broadcast %lt3A : f32 to vector<4x640xf32>
    %lt3A_304 = arith.cmpf olt, %sqrt3A_302, %lt3A_303 : vector<4x640xf32>
    %jit3A = arith.constant 1.000000e+00 : f32
    %broadcast_in_dim3A = vector.broadcast %jit3A : f32 to vector<4x640xf32>
    %select_n3A = arith.select %lt3A_304, %broadcast_in_dim3A, %sqrt3A_302 : vector<4x640xi1>, vector<4x640xf32>
    %mul3A_305 = arith.constant 2.000000e+00 : f32
    %mul3A_306 = vector.broadcast %mul3A_305 : f32 to vector<4x640xf32>
    %mul3A_307 = arith.mulf %mul3A_306, %sqrt3A : vector<4x640xf32>
    %div3A_308 = arith.divf %sub3A_279, %mul3A_307 : vector<4x640xf32>
    %mul3A_309 = arith.mulf %select_n3A, %div3A_308 : vector<4x640xf32>
    %sub3A_310 = arith.constant 1.000000e+00 : f32
    %sub3A_311 = vector.broadcast %sub3A_310 : f32 to vector<4x640xf32>
    %sub3A_312 = arith.subf %sub3A_311, %mul3A_309 : vector<4x640xf32>
    %mul3A_313 = arith.mulf %select_n3A, %select_n3A : vector<4x640xf32>
    %div3A_314 = arith.divf %sub3A_312, %mul3A_313 : vector<4x640xf32>
    %jit3A_315 = arith.constant 0.0833333358 : f32
    %broadcast_in_dim3A_316 = vector.broadcast %jit3A_315 : f32 to vector<4x640xf32>
    %select_n3A_317 = arith.select %lt3A_304, %broadcast_in_dim3A_316, %div3A_314 : vector<4x640xi1>, vector<4x640xf32>
    %mul3A_318 = arith.mulf %mul3A_292, %add3A_251 : vector<4x640xf32>
    %mul3A_319 = arith.mulf %mul3A_293, %add3A_250 : vector<4x640xf32>
    %sub3A_320 = arith.subf %mul3A_318, %mul3A_319 : vector<4x640xf32>
    %mul3A_321 = arith.mulf %mul3A_293, %add3A_249 : vector<4x640xf32>
    %mul3A_322 = arith.mulf %mul3A_291, %add3A_251 : vector<4x640xf32>
    %sub3A_323 = arith.subf %mul3A_321, %mul3A_322 : vector<4x640xf32>
    %mul3A_324 = arith.mulf %mul3A_291, %add3A_250 : vector<4x640xf32>
    %mul3A_325 = arith.mulf %mul3A_292, %add3A_249 : vector<4x640xf32>
    %sub3A_326 = arith.subf %mul3A_324, %mul3A_325 : vector<4x640xf32>
    %mul3A_327 = arith.mulf %mul3A_292, %sub3A_326 : vector<4x640xf32>
    %mul3A_328 = arith.mulf %mul3A_293, %sub3A_323 : vector<4x640xf32>
    %sub3A_329 = arith.subf %mul3A_327, %mul3A_328 : vector<4x640xf32>
    %mul3A_330 = arith.mulf %mul3A_293, %sub3A_320 : vector<4x640xf32>
    %mul3A_331 = arith.mulf %mul3A_291, %sub3A_326 : vector<4x640xf32>
    %sub3A_332 = arith.subf %mul3A_330, %mul3A_331 : vector<4x640xf32>
    %mul3A_333 = arith.mulf %mul3A_291, %sub3A_323 : vector<4x640xf32>
    %mul3A_334 = arith.mulf %mul3A_292, %sub3A_320 : vector<4x640xf32>
    %sub3A_335 = arith.subf %mul3A_333, %mul3A_334 : vector<4x640xf32>
    %mul3A_336 = arith.constant 5.000000e-01 : f32
    %mul3A_337 = vector.broadcast %mul3A_336 : f32 to vector<4x640xf32>
    %mul3A_338 = arith.mulf %mul3A_337, %sub3A_320 : vector<4x640xf32>
    %sub3A_339 = arith.subf %add3A_249, %mul3A_338 : vector<4x640xf32>
    %mul3A_340 = arith.mulf %select_n3A_317, %sub3A_329 : vector<4x640xf32>
    %add3A_341 = arith.addf %sub3A_339, %mul3A_340 : vector<4x640xf32>
    %mul3A_342 = arith.constant 5.000000e-01 : f32
    %mul3A_343 = vector.broadcast %mul3A_342 : f32 to vector<4x640xf32>
    %mul3A_344 = arith.mulf %mul3A_343, %sub3A_323 : vector<4x640xf32>
    %sub3A_345 = arith.subf %add3A_250, %mul3A_344 : vector<4x640xf32>
    %mul3A_346 = arith.mulf %select_n3A_317, %sub3A_332 : vector<4x640xf32>
    %add3A_347 = arith.addf %sub3A_345, %mul3A_346 : vector<4x640xf32>
    %mul3A_348 = arith.constant 5.000000e-01 : f32
    %mul3A_349 = vector.broadcast %mul3A_348 : f32 to vector<4x640xf32>
    %mul3A_350 = arith.mulf %mul3A_349, %sub3A_326 : vector<4x640xf32>
    %sub3A_351 = arith.subf %add3A_251, %mul3A_350 : vector<4x640xf32>
    %mul3A_352 = arith.mulf %select_n3A_317, %sub3A_335 : vector<4x640xf32>
    %add3A_353 = arith.addf %sub3A_351, %mul3A_352 : vector<4x640xf32>
    %broadcast_in_dim3A_354 = arith.constant 0.000000e+00 : f32
    %broadcast_in_dim3A_355 = vector.broadcast %broadcast_in_dim3A_354 : f32 to vector<4x640xf32>
    %stack3A = vector.shape_cast %add3A_341 : vector<4x640xf32> to vector<4x1x640xf32>
    %stack3A_356 = vector.shape_cast %add3A_347 : vector<4x640xf32> to vector<4x1x640xf32>
    %stack3A_357 = vector.shape_cast %add3A_353 : vector<4x640xf32> to vector<4x1x640xf32>
    %stack3A_358 = vector.shape_cast %mul3A_291 : vector<4x640xf32> to vector<4x1x640xf32>
    %stack3A_359 = vector.shape_cast %mul3A_292 : vector<4x640xf32> to vector<4x1x640xf32>
    %stack3A_360 = vector.shape_cast %mul3A_293 : vector<4x640xf32> to vector<4x1x640xf32>
    %stack3A_361 = vector.shape_cast %broadcast_in_dim3A_355 : vector<4x640xf32> to vector<4x1x640xf32>
    %stack3A_362 = vector.shape_cast %broadcast_in_dim3A_355 : vector<4x640xf32> to vector<4x1x640xf32>
    %stack3A_363 = vector.shape_cast %broadcast_in_dim3A_355 : vector<4x640xf32> to vector<4x1x640xf32>
    %stack3A_364 = vector.shape_cast %broadcast_in_dim3A_355 : vector<4x640xf32> to vector<4x1x640xf32>
    %stack3A_365 = vector.shape_cast %broadcast_in_dim3A_355 : vector<4x640xf32> to vector<4x1x640xf32>
    %stack3A_366 = vector.shape_cast %broadcast_in_dim3A_355 : vector<4x640xf32> to vector<4x1x640xf32>
    %stack3A_367 = vector.shape_cast %broadcast_in_dim3A_355 : vector<4x640xf32> to vector<4x1x640xf32>
    %stack3A_368 = vector.shape_cast %broadcast_in_dim3A_355 : vector<4x640xf32> to vector<4x1x640xf32>
    %stack3A_369 = vector.shape_cast %broadcast_in_dim3A_355 : vector<4x640xf32> to vector<4x1x640xf32>
    %stack3A_370 = vector.shape_cast %broadcast_in_dim3A_355 : vector<4x640xf32> to vector<4x1x640xf32>
    %stack3A_371 = vector.shape_cast %broadcast_in_dim3A_355 : vector<4x640xf32> to vector<4x1x640xf32>
    %stack3A_372 = vector.shape_cast %broadcast_in_dim3A_355 : vector<4x640xf32> to vector<4x1x640xf32>
    %stack3A_373 = vector.shape_cast %broadcast_in_dim3A_355 : vector<4x640xf32> to vector<4x1x640xf32>
    %stack3A_374 = vector.shape_cast %broadcast_in_dim3A_355 : vector<4x640xf32> to vector<4x1x640xf32>
    %stack3A_375 = vector.shape_cast %broadcast_in_dim3A_355 : vector<4x640xf32> to vector<4x1x640xf32>
    %stack3A_376 = vector.shape_cast %broadcast_in_dim3A_355 : vector<4x640xf32> to vector<4x1x640xf32>
    %stack3A_377 = vector.shape_cast %broadcast_in_dim3A_355 : vector<4x640xf32> to vector<4x1x640xf32>
    %stack3A_378 = vector.shape_cast %broadcast_in_dim3A_355 : vector<4x640xf32> to vector<4x1x640xf32>
    %stack3A_379 = vector.shape_cast %broadcast_in_dim3A_355 : vector<4x640xf32> to vector<4x1x640xf32>
    %stack3A_380 = vector.shape_cast %broadcast_in_dim3A_355 : vector<4x640xf32> to vector<4x1x640xf32>
    %stack3A_381 = vector.shape_cast %broadcast_in_dim3A_355 : vector<4x640xf32> to vector<4x1x640xf32>
    %stack3A_382 = vector.shape_cast %broadcast_in_dim3A_355 : vector<4x640xf32> to vector<4x1x640xf32>
    %stack3A_383 = vector.shape_cast %broadcast_in_dim3A_355 : vector<4x640xf32> to vector<4x1x640xf32>
    %stack3A_384 = vector.shape_cast %broadcast_in_dim3A_355 : vector<4x640xf32> to vector<4x1x640xf32>
    %stack3A_385 = vector.shape_cast %broadcast_in_dim3A_355 : vector<4x640xf32> to vector<4x1x640xf32>
    %stack3A_386 = vector.shape_cast %broadcast_in_dim3A_355 : vector<4x640xf32> to vector<4x1x640xf32>
    %stack3A_387 = tpu.concatenate %stack3A, %stack3A_356, %stack3A_357, %stack3A_358, %stack3A_359, %stack3A_360, %stack3A_361, %stack3A_362, %stack3A_363, %stack3A_364, %stack3A_365, %stack3A_366, %stack3A_367, %stack3A_368, %stack3A_369, %stack3A_370, %stack3A_371, %stack3A_372, %stack3A_373, %stack3A_374, %stack3A_375, %stack3A_376, %stack3A_377, %stack3A_378, %stack3A_379, %stack3A_380, %stack3A_381, %stack3A_382, %stack3A_383, %stack3A_384, %stack3A_385, %stack3A_386 in 1 : vector<4x1x640xf32>, vector<4x1x640xf32>, vector<4x1x640xf32>, vector<4x1x640xf32>, vector<4x1x640xf32>, vector<4x1x640xf32>, vector<4x1x640xf32>, vector<4x1x640xf32>, vector<4x1x640xf32>, vector<4x1x640xf32>, vector<4x1x640xf32>, vector<4x1x640xf32>, vector<4x1x640xf32>, vector<4x1x640xf32>, vector<4x1x640xf32>, vector<4x1x640xf32>, vector<4x1x640xf32>, vector<4x1x640xf32>, vector<4x1x640xf32>, vector<4x1x640xf32>, vector<4x1x640xf32>, vector<4x1x640xf32>, vector<4x1x640xf32>, vector<4x1x640xf32>, vector<4x1x640xf32>, vector<4x1x640xf32>, vector<4x1x640xf32>, vector<4x1x640xf32>, vector<4x1x640xf32>, vector<4x1x640xf32>, vector<4x1x640xf32>, vector<4x1x640xf32> -> vector<4x32x640xf32>
    %reshape3A_388 = vector.shape_cast %stack3A_387 : vector<4x32x640xf32> to vector<128x640xf32>
    %transpose3A_389 = tpu.transpose %reshape3A_388, [1, 0] : vector<128x640xf32> -> vector<640x128xf32>
    %swap3A = arith.constant 0 : index
    %swap3A_390 = arith.constant 0 : index
    %swap3A_391 = vector.load %arg2[%swap3A, %swap3A_390] : memref<640x128xf32, #tpu.memory_space<vmem>>, vector<640x128xf32>
    tpu.vector_store %arg2[%swap3A, %swap3A_390], %transpose3A_389 {strides = array<i32>} : memref<640x128xf32, #tpu.memory_space<vmem>>, vector<640x128xf32>,
    return
  }
  func.func @transform_0(%arg0: i32) -> (i32, i32) {
    %c0_i32 = arith.constant 0 : i32
    %c0_i32_0 = arith.constant 0 : i32
    return %arg0, %c0_i32 : i32, i32
  }
  func.func @transform_1(%arg0: i32) -> (i32, i32) {
    %c0_i32 = arith.constant 0 : i32
    %c0_i32_0 = arith.constant 0 : i32
    return %arg0, %c0_i32 : i32, i32
  }
}

module attributes {stable_mosaic.version = 14 : i64} {
  func.func @_tc_chain_body(%arg0: memref<7x392x128xf32, #tpu.memory_space<vmem>>, %arg1: memref<7x392x128xf32, #tpu.memory_space<vmem>>, %arg2: memref<4x392x128xf32, #tpu.memory_space<vmem>>, %arg3: memref<3x392x128xf32, #tpu.memory_space<vmem>>, %arg4: memref<3x392x128xf32, #tpu.memory_space<vmem>>, %arg5: memref<1x392x128xf32, #tpu.memory_space<vmem>>, %arg6: memref<3x392x128xf32, #tpu.memory_space<vmem>>, %arg7: memref<3x392x128xf32, #tpu.memory_space<vmem>>, %arg8: memref<3x392x128xf32, #tpu.memory_space<vmem>>, %arg9: memref<3x392x128xf32, #tpu.memory_space<vmem>>, %arg10: memref<3x392x128xf32, #tpu.memory_space<vmem>>) attributes {dimension_semantics = [], scalar_prefetch = 0 : i64, scratch_operands = 0 : i64, tpu.core_type = #tpu.core_type<tc>} {
    %get3A = arith.constant 3 : index
    %get3A_0 = arith.constant 0 : index
    %get3A_1 = arith.constant 0 : index
    %get3A_2 = vector.load %arg0[%get3A, %get3A_0, %get3A_1] : memref<7x392x128xf32, #tpu.memory_space<vmem>>, vector<1x392x128xf32>
    %get3A_3 = vector.shape_cast %get3A_2 : vector<1x392x128xf32> to vector<392x128xf32>
    %get3A_4 = arith.constant 4 : index
    %get3A_5 = arith.constant 0 : index
    %get3A_6 = arith.constant 0 : index
    %get3A_7 = vector.load %arg0[%get3A_4, %get3A_5, %get3A_6] : memref<7x392x128xf32, #tpu.memory_space<vmem>>, vector<1x392x128xf32>
    %get3A_8 = vector.shape_cast %get3A_7 : vector<1x392x128xf32> to vector<392x128xf32>
    %get3A_9 = arith.constant 5 : index
    %get3A_10 = arith.constant 0 : index
    %get3A_11 = arith.constant 0 : index
    %get3A_12 = vector.load %arg0[%get3A_9, %get3A_10, %get3A_11] : memref<7x392x128xf32, #tpu.memory_space<vmem>>, vector<1x392x128xf32>
    %get3A_13 = vector.shape_cast %get3A_12 : vector<1x392x128xf32> to vector<392x128xf32>
    %get3A_14 = arith.constant 6 : index
    %get3A_15 = arith.constant 0 : index
    %get3A_16 = arith.constant 0 : index
    %get3A_17 = vector.load %arg0[%get3A_14, %get3A_15, %get3A_16] : memref<7x392x128xf32, #tpu.memory_space<vmem>>, vector<1x392x128xf32>
    %get3A_18 = vector.shape_cast %get3A_17 : vector<1x392x128xf32> to vector<392x128xf32>
    %get3A_19 = arith.constant 3 : index
    %get3A_20 = arith.constant 0 : index
    %get3A_21 = arith.constant 0 : index
    %get3A_22 = vector.load %arg1[%get3A_19, %get3A_20, %get3A_21] : memref<7x392x128xf32, #tpu.memory_space<vmem>>, vector<1x392x128xf32>
    %get3A_23 = vector.shape_cast %get3A_22 : vector<1x392x128xf32> to vector<392x128xf32>
    %get3A_24 = arith.constant 4 : index
    %get3A_25 = arith.constant 0 : index
    %get3A_26 = arith.constant 0 : index
    %get3A_27 = vector.load %arg1[%get3A_24, %get3A_25, %get3A_26] : memref<7x392x128xf32, #tpu.memory_space<vmem>>, vector<1x392x128xf32>
    %get3A_28 = vector.shape_cast %get3A_27 : vector<1x392x128xf32> to vector<392x128xf32>
    %get3A_29 = arith.constant 5 : index
    %get3A_30 = arith.constant 0 : index
    %get3A_31 = arith.constant 0 : index
    %get3A_32 = vector.load %arg1[%get3A_29, %get3A_30, %get3A_31] : memref<7x392x128xf32, #tpu.memory_space<vmem>>, vector<1x392x128xf32>
    %get3A_33 = vector.shape_cast %get3A_32 : vector<1x392x128xf32> to vector<392x128xf32>
    %get3A_34 = arith.constant 6 : index
    %get3A_35 = arith.constant 0 : index
    %get3A_36 = arith.constant 0 : index
    %get3A_37 = vector.load %arg1[%get3A_34, %get3A_35, %get3A_36] : memref<7x392x128xf32, #tpu.memory_space<vmem>>, vector<1x392x128xf32>
    %get3A_38 = vector.shape_cast %get3A_37 : vector<1x392x128xf32> to vector<392x128xf32>
    %get3A_39 = arith.constant 0 : index
    %get3A_40 = arith.constant 0 : index
    %get3A_41 = arith.constant 0 : index
    %get3A_42 = vector.load %arg2[%get3A_39, %get3A_40, %get3A_41] : memref<4x392x128xf32, #tpu.memory_space<vmem>>, vector<1x392x128xf32>
    %get3A_43 = vector.shape_cast %get3A_42 : vector<1x392x128xf32> to vector<392x128xf32>
    %get3A_44 = arith.constant 1 : index
    %get3A_45 = arith.constant 0 : index
    %get3A_46 = arith.constant 0 : index
    %get3A_47 = vector.load %arg2[%get3A_44, %get3A_45, %get3A_46] : memref<4x392x128xf32, #tpu.memory_space<vmem>>, vector<1x392x128xf32>
    %get3A_48 = vector.shape_cast %get3A_47 : vector<1x392x128xf32> to vector<392x128xf32>
    %get3A_49 = arith.constant 2 : index
    %get3A_50 = arith.constant 0 : index
    %get3A_51 = arith.constant 0 : index
    %get3A_52 = vector.load %arg2[%get3A_49, %get3A_50, %get3A_51] : memref<4x392x128xf32, #tpu.memory_space<vmem>>, vector<1x392x128xf32>
    %get3A_53 = vector.shape_cast %get3A_52 : vector<1x392x128xf32> to vector<392x128xf32>
    %get3A_54 = arith.constant 3 : index
    %get3A_55 = arith.constant 0 : index
    %get3A_56 = arith.constant 0 : index
    %get3A_57 = vector.load %arg2[%get3A_54, %get3A_55, %get3A_56] : memref<4x392x128xf32, #tpu.memory_space<vmem>>, vector<1x392x128xf32>
    %get3A_58 = vector.shape_cast %get3A_57 : vector<1x392x128xf32> to vector<392x128xf32>
    %get3A_59 = arith.constant 0 : index
    %get3A_60 = arith.constant 0 : index
    %get3A_61 = arith.constant 0 : index
    %get3A_62 = vector.load %arg3[%get3A_59, %get3A_60, %get3A_61] : memref<3x392x128xf32, #tpu.memory_space<vmem>>, vector<1x392x128xf32>
    %get3A_63 = vector.shape_cast %get3A_62 : vector<1x392x128xf32> to vector<392x128xf32>
    %get3A_64 = arith.constant 0 : index
    %get3A_65 = arith.constant 0 : index
    %get3A_66 = arith.constant 0 : index
    %get3A_67 = vector.load %arg7[%get3A_64, %get3A_65, %get3A_66] : memref<3x392x128xf32, #tpu.memory_space<vmem>>, vector<1x392x128xf32>
    %get3A_68 = vector.shape_cast %get3A_67 : vector<1x392x128xf32> to vector<392x128xf32>
    %get3A_69 = arith.constant 0 : index
    %get3A_70 = arith.constant 0 : index
    %get3A_71 = arith.constant 0 : index
    %get3A_72 = vector.load %arg6[%get3A_69, %get3A_70, %get3A_71] : memref<3x392x128xf32, #tpu.memory_space<vmem>>, vector<1x392x128xf32>
    %get3A_73 = vector.shape_cast %get3A_72 : vector<1x392x128xf32> to vector<392x128xf32>
    %sub3A = arith.subf %get3A_68, %get3A_73 : vector<392x128xf32>
    %sub3A_74 = arith.subf %get3A_63, %sub3A : vector<392x128xf32>
    %swap3A = arith.constant 0 : index
    %swap3A_75 = arith.constant 0 : index
    %swap3A_76 = arith.constant 0 : index
    %swap3A_77 = vector.load %arg8[%swap3A, %swap3A_75, %swap3A_76] : memref<3x392x128xf32, #tpu.memory_space<vmem>>, vector<1x392x128xf32>
    %swap3A_78 = vector.shape_cast %swap3A_77 : vector<1x392x128xf32> to vector<392x128xf32>
    %swap3A_79 = vector.shape_cast %sub3A_74 : vector<392x128xf32> to vector<1x392x128xf32>
    tpu.vector_store %arg8[%swap3A, %swap3A_75, %swap3A_76], %swap3A_79 {strides = array<i32>} : memref<3x392x128xf32, #tpu.memory_space<vmem>>, vector<1x392x128xf32>,
    %get3A_80 = arith.constant 1 : index
    %get3A_81 = arith.constant 0 : index
    %get3A_82 = arith.constant 0 : index
    %get3A_83 = vector.load %arg3[%get3A_80, %get3A_81, %get3A_82] : memref<3x392x128xf32, #tpu.memory_space<vmem>>, vector<1x392x128xf32>
    %get3A_84 = vector.shape_cast %get3A_83 : vector<1x392x128xf32> to vector<392x128xf32>
    %get3A_85 = arith.constant 1 : index
    %get3A_86 = arith.constant 0 : index
    %get3A_87 = arith.constant 0 : index
    %get3A_88 = vector.load %arg7[%get3A_85, %get3A_86, %get3A_87] : memref<3x392x128xf32, #tpu.memory_space<vmem>>, vector<1x392x128xf32>
    %get3A_89 = vector.shape_cast %get3A_88 : vector<1x392x128xf32> to vector<392x128xf32>
    %get3A_90 = arith.constant 1 : index
    %get3A_91 = arith.constant 0 : index
    %get3A_92 = arith.constant 0 : index
    %get3A_93 = vector.load %arg6[%get3A_90, %get3A_91, %get3A_92] : memref<3x392x128xf32, #tpu.memory_space<vmem>>, vector<1x392x128xf32>
    %get3A_94 = vector.shape_cast %get3A_93 : vector<1x392x128xf32> to vector<392x128xf32>
    %sub3A_95 = arith.subf %get3A_89, %get3A_94 : vector<392x128xf32>
    %sub3A_96 = arith.subf %get3A_84, %sub3A_95 : vector<392x128xf32>
    %swap3A_97 = arith.constant 1 : index
    %swap3A_98 = arith.constant 0 : index
    %swap3A_99 = arith.constant 0 : index
    %swap3A_100 = vector.load %arg8[%swap3A_97, %swap3A_98, %swap3A_99] : memref<3x392x128xf32, #tpu.memory_space<vmem>>, vector<1x392x128xf32>
    %swap3A_101 = vector.shape_cast %swap3A_100 : vector<1x392x128xf32> to vector<392x128xf32>
    %swap3A_102 = vector.shape_cast %sub3A_96 : vector<392x128xf32> to vector<1x392x128xf32>
    tpu.vector_store %arg8[%swap3A_97, %swap3A_98, %swap3A_99], %swap3A_102 {strides = array<i32>} : memref<3x392x128xf32, #tpu.memory_space<vmem>>, vector<1x392x128xf32>,
    %get3A_103 = arith.constant 2 : index
    %get3A_104 = arith.constant 0 : index
    %get3A_105 = arith.constant 0 : index
    %get3A_106 = vector.load %arg3[%get3A_103, %get3A_104, %get3A_105] : memref<3x392x128xf32, #tpu.memory_space<vmem>>, vector<1x392x128xf32>
    %get3A_107 = vector.shape_cast %get3A_106 : vector<1x392x128xf32> to vector<392x128xf32>
    %get3A_108 = arith.constant 2 : index
    %get3A_109 = arith.constant 0 : index
    %get3A_110 = arith.constant 0 : index
    %get3A_111 = vector.load %arg7[%get3A_108, %get3A_109, %get3A_110] : memref<3x392x128xf32, #tpu.memory_space<vmem>>, vector<1x392x128xf32>
    %get3A_112 = vector.shape_cast %get3A_111 : vector<1x392x128xf32> to vector<392x128xf32>
    %get3A_113 = arith.constant 2 : index
    %get3A_114 = arith.constant 0 : index
    %get3A_115 = arith.constant 0 : index
    %get3A_116 = vector.load %arg6[%get3A_113, %get3A_114, %get3A_115] : memref<3x392x128xf32, #tpu.memory_space<vmem>>, vector<1x392x128xf32>
    %get3A_117 = vector.shape_cast %get3A_116 : vector<1x392x128xf32> to vector<392x128xf32>
    %sub3A_118 = arith.subf %get3A_112, %get3A_117 : vector<392x128xf32>
    %sub3A_119 = arith.subf %get3A_107, %sub3A_118 : vector<392x128xf32>
    %swap3A_120 = arith.constant 2 : index
    %swap3A_121 = arith.constant 0 : index
    %swap3A_122 = arith.constant 0 : index
    %swap3A_123 = vector.load %arg8[%swap3A_120, %swap3A_121, %swap3A_122] : memref<3x392x128xf32, #tpu.memory_space<vmem>>, vector<1x392x128xf32>
    %swap3A_124 = vector.shape_cast %swap3A_123 : vector<1x392x128xf32> to vector<392x128xf32>
    %swap3A_125 = vector.shape_cast %sub3A_119 : vector<392x128xf32> to vector<1x392x128xf32>
    tpu.vector_store %arg8[%swap3A_120, %swap3A_121, %swap3A_122], %swap3A_125 {strides = array<i32>} : memref<3x392x128xf32, #tpu.memory_space<vmem>>, vector<1x392x128xf32>,
    %neg3A = arith.constant 0.000000e+00 : f32
    %neg3A_126 = vector.broadcast %neg3A : f32 to vector<392x128xf32>
    %neg3A_127 = arith.subf %neg3A_126, %get3A_43 : vector<392x128xf32>
    %neg3A_128 = arith.constant 0.000000e+00 : f32
    %neg3A_129 = vector.broadcast %neg3A_128 : f32 to vector<392x128xf32>
    %neg3A_130 = arith.subf %neg3A_129, %get3A_48 : vector<392x128xf32>
    %neg3A_131 = arith.constant 0.000000e+00 : f32
    %neg3A_132 = vector.broadcast %neg3A_131 : f32 to vector<392x128xf32>
    %neg3A_133 = arith.subf %neg3A_132, %get3A_53 : vector<392x128xf32>
    %neg3A_134 = arith.constant 0.000000e+00 : f32
    %neg3A_135 = vector.broadcast %neg3A_134 : f32 to vector<392x128xf32>
    %neg3A_136 = arith.subf %neg3A_135, %get3A_3 : vector<392x128xf32>
    %neg3A_137 = arith.constant 0.000000e+00 : f32
    %neg3A_138 = vector.broadcast %neg3A_137 : f32 to vector<392x128xf32>
    %neg3A_139 = arith.subf %neg3A_138, %get3A_8 : vector<392x128xf32>
    %neg3A_140 = arith.constant 0.000000e+00 : f32
    %neg3A_141 = vector.broadcast %neg3A_140 : f32 to vector<392x128xf32>
    %neg3A_142 = arith.subf %neg3A_141, %get3A_13 : vector<392x128xf32>
    %mul3A = arith.mulf %get3A_58, %neg3A_136 : vector<392x128xf32>
    %mul3A_143 = arith.mulf %neg3A_127, %get3A_18 : vector<392x128xf32>
    %add3A = arith.addf %mul3A, %mul3A_143 : vector<392x128xf32>
    %mul3A_144 = arith.mulf %neg3A_130, %neg3A_142 : vector<392x128xf32>
    %add3A_145 = arith.addf %add3A, %mul3A_144 : vector<392x128xf32>
    %mul3A_146 = arith.mulf %neg3A_133, %neg3A_139 : vector<392x128xf32>
    %sub3A_147 = arith.subf %add3A_145, %mul3A_146 : vector<392x128xf32>
    %mul3A_148 = arith.mulf %get3A_58, %neg3A_139 : vector<392x128xf32>
    %mul3A_149 = arith.mulf %neg3A_127, %neg3A_142 : vector<392x128xf32>
    %sub3A_150 = arith.subf %mul3A_148, %mul3A_149 : vector<392x128xf32>
    %mul3A_151 = arith.mulf %neg3A_130, %get3A_18 : vector<392x128xf32>
    %add3A_152 = arith.addf %sub3A_150, %mul3A_151 : vector<392x128xf32>
    %mul3A_153 = arith.mulf %neg3A_133, %neg3A_136 : vector<392x128xf32>
    %add3A_154 = arith.addf %add3A_152, %mul3A_153 : vector<392x128xf32>
    %mul3A_155 = arith.mulf %get3A_58, %neg3A_142 : vector<392x128xf32>
    %mul3A_156 = arith.mulf %neg3A_127, %neg3A_139 : vector<392x128xf32>
    %add3A_157 = arith.addf %mul3A_155, %mul3A_156 : vector<392x128xf32>
    %mul3A_158 = arith.mulf %neg3A_130, %neg3A_136 : vector<392x128xf32>
    %sub3A_159 = arith.subf %add3A_157, %mul3A_158 : vector<392x128xf32>
    %mul3A_160 = arith.mulf %neg3A_133, %get3A_18 : vector<392x128xf32>
    %add3A_161 = arith.addf %sub3A_159, %mul3A_160 : vector<392x128xf32>
    %mul3A_162 = arith.mulf %get3A_58, %get3A_18 : vector<392x128xf32>
    %mul3A_163 = arith.mulf %neg3A_127, %neg3A_136 : vector<392x128xf32>
    %sub3A_164 = arith.subf %mul3A_162, %mul3A_163 : vector<392x128xf32>
    %mul3A_165 = arith.mulf %neg3A_130, %neg3A_139 : vector<392x128xf32>
    %sub3A_166 = arith.subf %sub3A_164, %mul3A_165 : vector<392x128xf32>
    %mul3A_167 = arith.mulf %neg3A_133, %neg3A_142 : vector<392x128xf32>
    %sub3A_168 = arith.subf %sub3A_166, %mul3A_167 : vector<392x128xf32>
    %mul3A_169 = arith.mulf %sub3A_168, %get3A_23 : vector<392x128xf32>
    %mul3A_170 = arith.mulf %sub3A_147, %get3A_38 : vector<392x128xf32>
    %add3A_171 = arith.addf %mul3A_169, %mul3A_170 : vector<392x128xf32>
    %mul3A_172 = arith.mulf %add3A_154, %get3A_33 : vector<392x128xf32>
    %add3A_173 = arith.addf %add3A_171, %mul3A_172 : vector<392x128xf32>
    %mul3A_174 = arith.mulf %add3A_161, %get3A_28 : vector<392x128xf32>
    %sub3A_175 = arith.subf %add3A_173, %mul3A_174 : vector<392x128xf32>
    %mul3A_176 = arith.mulf %sub3A_168, %get3A_28 : vector<392x128xf32>
    %mul3A_177 = arith.mulf %sub3A_147, %get3A_33 : vector<392x128xf32>
    %sub3A_178 = arith.subf %mul3A_176, %mul3A_177 : vector<392x128xf32>
    %mul3A_179 = arith.mulf %add3A_154, %get3A_38 : vector<392x128xf32>
    %add3A_180 = arith.addf %sub3A_178, %mul3A_179 : vector<392x128xf32>
    %mul3A_181 = arith.mulf %add3A_161, %get3A_23 : vector<392x128xf32>
    %add3A_182 = arith.addf %add3A_180, %mul3A_181 : vector<392x128xf32>
    %mul3A_183 = arith.mulf %sub3A_168, %get3A_33 : vector<392x128xf32>
    %mul3A_184 = arith.mulf %sub3A_147, %get3A_28 : vector<392x128xf32>
    %add3A_185 = arith.addf %mul3A_183, %mul3A_184 : vector<392x128xf32>
    %mul3A_186 = arith.mulf %add3A_154, %get3A_23 : vector<392x128xf32>
    %sub3A_187 = arith.subf %add3A_185, %mul3A_186 : vector<392x128xf32>
    %mul3A_188 = arith.mulf %add3A_161, %get3A_38 : vector<392x128xf32>
    %add3A_189 = arith.addf %sub3A_187, %mul3A_188 : vector<392x128xf32>
    %mul3A_190 = arith.mulf %sub3A_168, %get3A_38 : vector<392x128xf32>
    %mul3A_191 = arith.mulf %sub3A_147, %get3A_23 : vector<392x128xf32>
    %sub3A_192 = arith.subf %mul3A_190, %mul3A_191 : vector<392x128xf32>
    %mul3A_193 = arith.mulf %add3A_154, %get3A_28 : vector<392x128xf32>
    %sub3A_194 = arith.subf %sub3A_192, %mul3A_193 : vector<392x128xf32>
    %mul3A_195 = arith.mulf %add3A_161, %get3A_33 : vector<392x128xf32>
    %sub3A_196 = arith.subf %sub3A_194, %mul3A_195 : vector<392x128xf32>
    %mul3A_197 = arith.mulf %sub3A_175, %sub3A_175 : vector<392x128xf32>
    %mul3A_198 = arith.mulf %add3A_182, %add3A_182 : vector<392x128xf32>
    %add3A_199 = arith.addf %mul3A_197, %mul3A_198 : vector<392x128xf32>
    %mul3A_200 = arith.mulf %add3A_189, %add3A_189 : vector<392x128xf32>
    %add3A_201 = arith.addf %add3A_199, %mul3A_200 : vector<392x128xf32>
    %add3A_202 = arith.constant 9.99999996E-13 : f32
    %add3A_203 = vector.broadcast %add3A_202 : f32 to vector<392x128xf32>
    %add3A_204 = arith.addf %add3A_201, %add3A_203 : vector<392x128xf32>
    %sqrt3A = math.sqrt %add3A_204 : vector<392x128xf32>
    %atan23A = math.atan2 %sqrt3A, %sub3A_196 : vector<392x128xf32>
    %mul3A_205 = arith.constant 2.000000e+00 : f32
    %mul3A_206 = vector.broadcast %mul3A_205 : f32 to vector<392x128xf32>
    %mul3A_207 = arith.mulf %mul3A_206, %atan23A : vector<392x128xf32>
    %div3A = arith.divf %mul3A_207, %sqrt3A : vector<392x128xf32>
    %mul3A_208 = arith.mulf %sub3A_175, %div3A : vector<392x128xf32>
    %mul3A_209 = arith.mulf %add3A_182, %div3A : vector<392x128xf32>
    %mul3A_210 = arith.mulf %add3A_189, %div3A : vector<392x128xf32>
    %swap3A_211 = arith.constant 0 : index
    %swap3A_212 = arith.constant 0 : index
    %swap3A_213 = arith.constant 0 : index
    %swap3A_214 = vector.load %arg9[%swap3A_211, %swap3A_212, %swap3A_213] : memref<3x392x128xf32, #tpu.memory_space<vmem>>, vector<1x392x128xf32>
    %swap3A_215 = vector.shape_cast %swap3A_214 : vector<1x392x128xf32> to vector<392x128xf32>
    %swap3A_216 = vector.shape_cast %mul3A_208 : vector<392x128xf32> to vector<1x392x128xf32>
    tpu.vector_store %arg9[%swap3A_211, %swap3A_212, %swap3A_213], %swap3A_216 {strides = array<i32>} : memref<3x392x128xf32, #tpu.memory_space<vmem>>, vector<1x392x128xf32>,
    %swap3A_217 = arith.constant 1 : index
    %swap3A_218 = arith.constant 0 : index
    %swap3A_219 = arith.constant 0 : index
    %swap3A_220 = vector.load %arg9[%swap3A_217, %swap3A_218, %swap3A_219] : memref<3x392x128xf32, #tpu.memory_space<vmem>>, vector<1x392x128xf32>
    %swap3A_221 = vector.shape_cast %swap3A_220 : vector<1x392x128xf32> to vector<392x128xf32>
    %swap3A_222 = vector.shape_cast %mul3A_209 : vector<392x128xf32> to vector<1x392x128xf32>
    tpu.vector_store %arg9[%swap3A_217, %swap3A_218, %swap3A_219], %swap3A_222 {strides = array<i32>} : memref<3x392x128xf32, #tpu.memory_space<vmem>>, vector<1x392x128xf32>,
    %swap3A_223 = arith.constant 2 : index
    %swap3A_224 = arith.constant 0 : index
    %swap3A_225 = arith.constant 0 : index
    %swap3A_226 = vector.load %arg9[%swap3A_223, %swap3A_224, %swap3A_225] : memref<3x392x128xf32, #tpu.memory_space<vmem>>, vector<1x392x128xf32>
    %swap3A_227 = vector.shape_cast %swap3A_226 : vector<1x392x128xf32> to vector<392x128xf32>
    %swap3A_228 = vector.shape_cast %mul3A_210 : vector<392x128xf32> to vector<1x392x128xf32>
    tpu.vector_store %arg9[%swap3A_223, %swap3A_224, %swap3A_225], %swap3A_228 {strides = array<i32>} : memref<3x392x128xf32, #tpu.memory_space<vmem>>, vector<1x392x128xf32>,
    %get3A_229 = arith.constant 0 : index
    %get3A_230 = arith.constant 0 : index
    %get3A_231 = arith.constant 0 : index
    %get3A_232 = vector.load %arg5[%get3A_229, %get3A_230, %get3A_231] : memref<1x392x128xf32, #tpu.memory_space<vmem>>, vector<1x392x128xf32>
    %get3A_233 = vector.shape_cast %get3A_232 : vector<1x392x128xf32> to vector<392x128xf32>
    %get3A_234 = arith.constant 0 : index
    %get3A_235 = arith.constant 0 : index
    %get3A_236 = arith.constant 0 : index
    %get3A_237 = vector.load %arg1[%get3A_234, %get3A_235, %get3A_236] : memref<7x392x128xf32, #tpu.memory_space<vmem>>, vector<1x392x128xf32>
    %get3A_238 = vector.shape_cast %get3A_237 : vector<1x392x128xf32> to vector<392x128xf32>
    %get3A_239 = arith.constant 0 : index
    %get3A_240 = arith.constant 0 : index
    %get3A_241 = arith.constant 0 : index
    %get3A_242 = vector.load %arg0[%get3A_239, %get3A_240, %get3A_241] : memref<7x392x128xf32, #tpu.memory_space<vmem>>, vector<1x392x128xf32>
    %get3A_243 = vector.shape_cast %get3A_242 : vector<1x392x128xf32> to vector<392x128xf32>
    %sub3A_244 = arith.subf %get3A_238, %get3A_243 : vector<392x128xf32>
    %get3A_245 = arith.constant 0 : index
    %get3A_246 = arith.constant 0 : index
    %get3A_247 = arith.constant 0 : index
    %get3A_248 = vector.load %arg6[%get3A_245, %get3A_246, %get3A_247] : memref<3x392x128xf32, #tpu.memory_space<vmem>>, vector<1x392x128xf32>
    %get3A_249 = vector.shape_cast %get3A_248 : vector<1x392x128xf32> to vector<392x128xf32>
    %mul3A_250 = arith.mulf %get3A_249, %get3A_233 : vector<392x128xf32>
    %get3A_251 = arith.constant 0 : index
    %get3A_252 = arith.constant 0 : index
    %get3A_253 = arith.constant 0 : index
    %get3A_254 = vector.load %arg4[%get3A_251, %get3A_252, %get3A_253] : memref<3x392x128xf32, #tpu.memory_space<vmem>>, vector<1x392x128xf32>
    %get3A_255 = vector.shape_cast %get3A_254 : vector<1x392x128xf32> to vector<392x128xf32>
    %add3A_256 = arith.addf %mul3A_250, %get3A_255 : vector<392x128xf32>
    %sub3A_257 = arith.subf %sub3A_244, %add3A_256 : vector<392x128xf32>
    %swap3A_258 = arith.constant 0 : index
    %swap3A_259 = arith.constant 0 : index
    %swap3A_260 = arith.constant 0 : index
    %swap3A_261 = vector.load %arg10[%swap3A_258, %swap3A_259, %swap3A_260] : memref<3x392x128xf32, #tpu.memory_space<vmem>>, vector<1x392x128xf32>
    %swap3A_262 = vector.shape_cast %swap3A_261 : vector<1x392x128xf32> to vector<392x128xf32>
    %swap3A_263 = vector.shape_cast %sub3A_257 : vector<392x128xf32> to vector<1x392x128xf32>
    tpu.vector_store %arg10[%swap3A_258, %swap3A_259, %swap3A_260], %swap3A_263 {strides = array<i32>} : memref<3x392x128xf32, #tpu.memory_space<vmem>>, vector<1x392x128xf32>,
    %get3A_264 = arith.constant 1 : index
    %get3A_265 = arith.constant 0 : index
    %get3A_266 = arith.constant 0 : index
    %get3A_267 = vector.load %arg1[%get3A_264, %get3A_265, %get3A_266] : memref<7x392x128xf32, #tpu.memory_space<vmem>>, vector<1x392x128xf32>
    %get3A_268 = vector.shape_cast %get3A_267 : vector<1x392x128xf32> to vector<392x128xf32>
    %get3A_269 = arith.constant 1 : index
    %get3A_270 = arith.constant 0 : index
    %get3A_271 = arith.constant 0 : index
    %get3A_272 = vector.load %arg0[%get3A_269, %get3A_270, %get3A_271] : memref<7x392x128xf32, #tpu.memory_space<vmem>>, vector<1x392x128xf32>
    %get3A_273 = vector.shape_cast %get3A_272 : vector<1x392x128xf32> to vector<392x128xf32>
    %sub3A_274 = arith.subf %get3A_268, %get3A_273 : vector<392x128xf32>
    %get3A_275 = arith.constant 1 : index
    %get3A_276 = arith.constant 0 : index
    %get3A_277 = arith.constant 0 : index
    %get3A_278 = vector.load %arg6[%get3A_275, %get3A_276, %get3A_277] : memref<3x392x128xf32, #tpu.memory_space<vmem>>, vector<1x392x128xf32>
    %get3A_279 = vector.shape_cast %get3A_278 : vector<1x392x128xf32> to vector<392x128xf32>
    %mul3A_280 = arith.mulf %get3A_279, %get3A_233 : vector<392x128xf32>
    %get3A_281 = arith.constant 1 : index
    %get3A_282 = arith.constant 0 : index
    %get3A_283 = arith.constant 0 : index
    %get3A_284 = vector.load %arg4[%get3A_281, %get3A_282, %get3A_283] : memref<3x392x128xf32, #tpu.memory_space<vmem>>, vector<1x392x128xf32>
    %get3A_285 = vector.shape_cast %get3A_284 : vector<1x392x128xf32> to vector<392x128xf32>
    %add3A_286 = arith.addf %mul3A_280, %get3A_285 : vector<392x128xf32>
    %sub3A_287 = arith.subf %sub3A_274, %add3A_286 : vector<392x128xf32>
    %swap3A_288 = arith.constant 1 : index
    %swap3A_289 = arith.constant 0 : index
    %swap3A_290 = arith.constant 0 : index
    %swap3A_291 = vector.load %arg10[%swap3A_288, %swap3A_289, %swap3A_290] : memref<3x392x128xf32, #tpu.memory_space<vmem>>, vector<1x392x128xf32>
    %swap3A_292 = vector.shape_cast %swap3A_291 : vector<1x392x128xf32> to vector<392x128xf32>
    %swap3A_293 = vector.shape_cast %sub3A_287 : vector<392x128xf32> to vector<1x392x128xf32>
    tpu.vector_store %arg10[%swap3A_288, %swap3A_289, %swap3A_290], %swap3A_293 {strides = array<i32>} : memref<3x392x128xf32, #tpu.memory_space<vmem>>, vector<1x392x128xf32>,
    %get3A_294 = arith.constant 2 : index
    %get3A_295 = arith.constant 0 : index
    %get3A_296 = arith.constant 0 : index
    %get3A_297 = vector.load %arg1[%get3A_294, %get3A_295, %get3A_296] : memref<7x392x128xf32, #tpu.memory_space<vmem>>, vector<1x392x128xf32>
    %get3A_298 = vector.shape_cast %get3A_297 : vector<1x392x128xf32> to vector<392x128xf32>
    %get3A_299 = arith.constant 2 : index
    %get3A_300 = arith.constant 0 : index
    %get3A_301 = arith.constant 0 : index
    %get3A_302 = vector.load %arg0[%get3A_299, %get3A_300, %get3A_301] : memref<7x392x128xf32, #tpu.memory_space<vmem>>, vector<1x392x128xf32>
    %get3A_303 = vector.shape_cast %get3A_302 : vector<1x392x128xf32> to vector<392x128xf32>
    %sub3A_304 = arith.subf %get3A_298, %get3A_303 : vector<392x128xf32>
    %get3A_305 = arith.constant 2 : index
    %get3A_306 = arith.constant 0 : index
    %get3A_307 = arith.constant 0 : index
    %get3A_308 = vector.load %arg6[%get3A_305, %get3A_306, %get3A_307] : memref<3x392x128xf32, #tpu.memory_space<vmem>>, vector<1x392x128xf32>
    %get3A_309 = vector.shape_cast %get3A_308 : vector<1x392x128xf32> to vector<392x128xf32>
    %mul3A_310 = arith.mulf %get3A_309, %get3A_233 : vector<392x128xf32>
    %get3A_311 = arith.constant 2 : index
    %get3A_312 = arith.constant 0 : index
    %get3A_313 = arith.constant 0 : index
    %get3A_314 = vector.load %arg4[%get3A_311, %get3A_312, %get3A_313] : memref<3x392x128xf32, #tpu.memory_space<vmem>>, vector<1x392x128xf32>
    %get3A_315 = vector.shape_cast %get3A_314 : vector<1x392x128xf32> to vector<392x128xf32>
    %add3A_316 = arith.addf %mul3A_310, %get3A_315 : vector<392x128xf32>
    %sub3A_317 = arith.subf %sub3A_304, %add3A_316 : vector<392x128xf32>
    %swap3A_318 = arith.constant 2 : index
    %swap3A_319 = arith.constant 0 : index
    %swap3A_320 = arith.constant 0 : index
    %swap3A_321 = vector.load %arg10[%swap3A_318, %swap3A_319, %swap3A_320] : memref<3x392x128xf32, #tpu.memory_space<vmem>>, vector<1x392x128xf32>
    %swap3A_322 = vector.shape_cast %swap3A_321 : vector<1x392x128xf32> to vector<392x128xf32>
    %swap3A_323 = vector.shape_cast %sub3A_317 : vector<392x128xf32> to vector<1x392x128xf32>
    tpu.vector_store %arg10[%swap3A_318, %swap3A_319, %swap3A_320], %swap3A_323 {strides = array<i32>} : memref<3x392x128xf32, #tpu.memory_space<vmem>>, vector<1x392x128xf32>,
    return
  }
}

</mosaic_0001>

<sc_bundles>
// kernel: kernel.5.cloned.1.call-start
scs
__scs_entry_jumppad:
0x0: {  	(pc) =	sbr.rel $0x88, $3  }
0x1: {  	(tag) =	ssettag $0x0;
	lr =	simm.s32 $0x1  }
0x2: {  	[smem:$0x3F99] =	sst lr;
	_ =	strace $0xD0000000  }
0x3: {  	_ = 	snop  }
0x4: {  	_ = 	snop  }
0x5: {  	_ = 	snop  }
0x6: {  	_ = 	snop  }
0x7: {  	_ = 	snop  }
__scs_overlays_trampoline_lowered:
0x8: {  	[smem:$0x3FA8] =	sst s0  }
0x9: {  	[smem:$0x3FA9] =	sst s1  }
0xa: {  	[smem:$0x3FAA] =	sst s2  }
0xb: {  	[smem:$0x3FAB] =	sst s3  }
0xc: {  	[smem:$0x3FAC] =	sst s4  }
0xd: {  	[smem:$0x3FAD] =	sst s5  }
0xe: {  	[smem:$0x3FAE] =	sst s6  }
0xf: {  	[smem:$0x3FAF] =	sst s7  }
0x10: {  	[smem:$0x3FB0] =	sst s8  }
0x11: {  	[smem:$0x3FB1] =	sst s9;
	s0 =	simm.s32 @!p0 $0x0  }
0x12: {  	s1 =	sld [smem:$0x3F97];
	s0 =	simm.s32 @p0 $0x1  }
0x13: {  	[smem:$0x3FB2] =	sst s0;
	s0 =	simm.s32 @!p1 $0x0  }
0x14: {  	s2 =	sld [smem:$0x3F96];
	s0 =	simm.s32 @p1 $0x1  }
0x15: {  	[smem:$0x3FB3] =	sst s0;
	s0 =	simm.s32 @!p2 $0x0  }
0x16: {  	s3 =	sld [smem:$0x3FDB];
	s0 =	simm.s32 @p2 $0x1  }
0x17: {  	s4 =	simm.s32 $0x1BF5;
	[smem:$0x3FB5] =	sst s0  }
0x18: {  	s0 =	sld [smem:$0x3F98];
	_ =	swait.ge [sflag:s4], $0x0  }
0x19: {  	s7 =	sld [smem:$0x3F99]  }
0x1a: {  	s8 =	sadd.s32 $0xFFFFE003, lr  }
0x1b: {  	s9 =	sadd.s32 $0xFFFFFEF7, lr;
	s5 =	simm.s32 $0xFFFFFFFF;
	p2 =	slt.u32 s8, $0xFFFFF086  }
0x1c: {  	p1 =	slt.u32 s9, $0xF7A;
	s5 =	simm.s32 @!p2 $0x0  }
0x1d: {  	s5 =	simm.s32 @p1 $0x1;
	p0 =	seq.s32 s7, s2  }
0x1e: {  	s7 =	smul.u32 @!p0 $0xF7A, s2;
	p2 =	seq.s32 @!p0 s5, $0x0  }
0x1f: {  	s9 =	smul.u32 $0xF7A, s1;
	s8 =	simm.s32 @!p0 $0x1BF5;
	p2 =	por !p2, p0  }
0x20: {  	[sflag:s8] =	ssyncset.s32 @!p0 $0xFFFFF086;
	s6 =	sadd.s32 @!p0 s3, s7;
	s7 =	simm.s32 @!p0 $0x108  }
0x21: {  	s3 =	sadd.s32 s3, s9;
	s6 =	sadd.s32 @!p0 $0x88, s6;
	s7 =	simm.s32 @p2 $0x1082  }
0x22: {  	[simem:s7], [sflag:s8] =	dma.local @!p0 [hbm:s6], $0xF7A  }
0x23: {  	s9 =	sor.u32 $0xD0000000, s2;
	s6 =	simm.s32 $0x108;
	_ =	swait.ge @!p0 [sflag:s8], $0x0  }
0x24: {  	s3 =	sadd.s32 $0x88, s3;
	s6 =	simm.s32 @!p1 $0x1082;
	[sflag:s4] =	ssyncset.s32 $0xFFFFF086  }
0x25: {  	[simem:s6], [sflag:s4] =	dma.local [hbm:s3], $0xF7A  }
0x26: {  	[smem:$0x3F99] =	sst s1;
	(tag) =	ssettag s2;
	_ =	strace s9  }
0x27: {  	s1 =	sld [smem:$0x3FA9]  }
0x28: {  	s2 =	sld [smem:$0x3FAA]  }
0x29: {  	s4 =	sld [smem:$0x3FAC]  }
0x2a: {  	p0 =	seq.s32 s5, $0x0;
	s5 =	sld [smem:$0x3FAD]  }
0x2b: {  	s6 =	sld [smem:$0x3FAE]  }
0x2c: {  	s7 =	sld [smem:$0x3FAF]  }
0x2d: {  	s3 =	simm.s32 $0x108;
	s8 =	sld [smem:$0x3FB0]  }
0x2e: {  	s3 =	simm.s32 @!p0 $0x1082;
	s9 =	sld [smem:$0x3FB1]  }
0x2f: {  	lr =	sadd.s32 s0, s3;
	s0 =	sld [smem:$0x3FA8]  }
0x30: {  	s3 =	sld [smem:$0x3FAB]  }
0x31: {  	[smem:$0x3FB4] =	sst s10  }
0x32: {  	s10 =	sld [smem:$0x3FB2];
	_ =	sdelay $0x3  }
0x33: {  	p0 =	seq.s32 s10, $0x1;
	s10 =	sld [smem:$0x3FB4];
	_ =	sdelay $0x3  }
0x34: {  	[smem:$0x3FB4] =	sst s10  }
0x35: {  	s10 =	sld [smem:$0x3FB3];
	_ =	sdelay $0x3  }
0x36: {  	p1 =	seq.s32 s10, $0x1;
	s10 =	sld [smem:$0x3FB4];
	_ =	sdelay $0x3  }
0x37: {  	[smem:$0x3FB4] =	sst s10  }
0x38: {  	s10 =	sld [smem:$0x3FB5]  }
0x39: {  	_ = 	snop;
	(pc) =	sbr.ind lr, $3  }
0x3a: {  	_ = 	snop  }
0x3b: {  	_ = 	snop  }
0x3c: {  	p2 =	seq.s32 s10, $0x1;
	s10 =	sld [smem:$0x3FB4]  }
0x3d: {  	_ =	shalt  }
0x3e: {  	_ =	shalt  }
0x3f: {  	_ =	shalt  }
0x40: {  	_ =	shalt  }
0x41: {  	_ =	shalt  }
0x42: {  	_ =	shalt  }
0x43: {  	_ =	shalt  }
0x44: {  	_ =	shalt  }
0x45: {  	_ =	shalt  }
0x46: {  	_ =	shalt  }
0x47: {  	_ =	shalt  }
0x48: {  	_ =	shalt  }
0x49: {  	_ =	shalt  }
0x4a: {  	_ =	shalt  }
0x4b: {  	_ =	shalt  }
0x4c: {  	_ =	shalt  }
0x4d: {  	_ =	shalt  }
0x4e: {  	_ =	shalt  }
0x4f: {  	_ =	shalt  }
0x50: {  	_ =	shalt  }
0x51: {  	_ =	shalt  }
0x52: {  	_ =	shalt  }
0x53: {  	_ =	shalt  }
0x54: {  	_ =	shalt  }
0x55: {  	_ =	shalt  }
0x56: {  	_ =	shalt  }
0x57: {  	_ =	shalt  }
0x58: {  	_ =	shalt  }
0x59: {  	_ =	shalt  }
0x5a: {  	_ =	shalt  }
0x5b: {  	_ =	shalt  }
0x5c: {  	_ =	shalt  }
0x5d: {  	_ =	shalt  }
0x5e: {  	_ =	shalt  }
0x5f: {  	_ =	shalt  }
0x60: {  	_ =	shalt  }
0x61: {  	_ =	shalt  }
0x62: {  	_ =	shalt  }
0x63: {  	_ =	shalt  }
0x64: {  	_ =	shalt  }
0x65: {  	_ =	shalt  }
0x66: {  	_ =	shalt  }
0x67: {  	_ =	shalt  }
0x68: {  	_ =	shalt  }
0x69: {  	_ =	shalt  }
0x6a: {  	_ =	shalt  }
0x6b: {  	_ =	shalt  }
0x6c: {  	_ =	shalt  }
0x6d: {  	_ =	shalt  }
0x6e: {  	_ =	shalt  }
0x6f: {  	_ =	shalt  }
0x70: {  	_ =	shalt  }
0x71: {  	_ =	shalt  }
0x72: {  	_ =	shalt  }
0x73: {  	_ =	shalt  }
0x74: {  	_ =	shalt  }
0x75: {  	_ =	shalt  }
0x76: {  	_ =	shalt  }
0x77: {  	_ =	shalt  }
0x78: {  	_ =	shalt  }
0x79: {  	_ =	shalt  }
0x7a: {  	_ =	shalt  }
0x7b: {  	_ =	shalt  }
0x7c: {  	_ =	shalt  }
0x7d: {  	_ =	shalt  }
0x7e: {  	_ =	shalt  }
0x7f: {  	_ =	shalt  }
0x80: {  	_ =	shalt  }
0x81: {  	_ =	shalt  }
0x82: {  	_ =	shalt  }
0x83: {  	_ =	shalt  }
0x84: {  	_ =	shalt  }
0x85: {  	_ =	shalt  }
0x86: {  	_ =	shalt  }
0x87: {  	_ =	shalt  }
.Lfunc_end0:
.L_simem_size_0:
called_computation.2_lowered:
.L_overlay_start_0:
0x88: {  	s2 =	sld [smem:$0x3FD9]  }
0x89: {  	s3 =	sld [smem:$0x3FFE];
	_ =	sdelay $0x1  }
0x8a: {  	s1 =	srdreg.scid  }
0x8b: {  	s0 =	sand.u32 $0x1, s1  }
0x8c: {  	s14 =	sshll.u32 s0, $0xA;
	s2 =	sadd.s32 s3, s2  }
0x8d: {  	s2 =	sadd.s32 s2, s14  }
0x8e: {  	[smem:$0x3FC0] =	sst s2  }
0x8f: {  	_ = 	snop  }
0x90: {  	s2 =	sld [smem:$0x3FD0];
	_ =	sdelay $0x2  }
0x91: {  	s15 =	simm.s32 $0xA;
	s4 =	simm.s32 $0x10  }
0x92: {  	[smem:s4], [sflag:s15] =	dma.local [hbm:s2], $0x1  }
0x93: {  	_ =	swait.eq [sflag:s15], $0x1  }
0x94: {  	[sflag:s15] =	ssyncset.done $0x0  }
0x95: {  	[sflag:s15] =	ssyncadd.s32 $0xFFFFFFFF  }
0x96: {  	s16 =	sld [smem:$0x10];
	(tm) =	ssettm $0x1  }
0x97: {  	s17 =	sld [smem:$0x3FFB];
	_ =	sdelay $0x3  }
0x98: {  	_ =	strace s17  }
0x99: {  	s3 =	sld [smem:$0x3FFC];
	_ =	sdelay $0x3  }
0x9a: {  	_ =	strace s3  }
0x9b: {  	s3 =	sld [smem:$0x3FFD];
	_ =	sdelay $0x3  }
0x9c: {  	_ =	strace s3  }
0x9d: {  	_ =	strace $0x8FFFFFFF  }
0x9e: {  	s18 =	sld [smem:$0x3FDB];
	_ =	sdelay $0x1  }
0x9f: {  	s19 =	simm.s32 $_scs_section_size  }
0xa0: {  	s5 =	simm.s32 $_size__tile_overlayer_lowered;
	s6 =	simm.s32 $_tile_overlayer_lowered  }
0xa1: {  	s22 =	simm.s32 $0x1BFF;
	s21 =	sshll.u32 s6, $0x1;
	s3 =	sadd.s32 s19, s18  }
0xa2: {  	s7 =	simm.s32 $0x0;
	s20 =	sshll.u32 s5, $0x1;
	s5 =	sadd.s32 s21, s3  }
0xa3: {  	[timem:s7], [sflag:s22] =	dma.local [hbm:s5], s20  }
0xa4: {  	_ =	swait.ge [sflag:s22], s20  }
0xa5: {  	s4 =	ssub.s32 $0x0, s20;
	[sflag:s22] =	ssyncset.done $0x0  }
0xa6: {  	[sflag:s22] =	ssyncadd.s32 s4;
	_ =	sdelay $0x1  }
0xa7: {  	s23 =	simm.s32 $0x1B8B  }
0xa8: {  	_ =	swait.ge [sflag:s23], $0x1  }
0xa9: {  	[sflag:s23] =	ssyncset.done $0x0  }
0xaa: {  	s25 =	simm.s32 $0x1B8E;
	s24 =	sld [smem:$0x3FFE];
	[sflag:s23] =	ssyncadd.s32 $0xFFFFFFFF  }
0xab: {  	s26 =	simm.s32 $execute0_lowered;
	[smem:$0x3FD2] =	sst s25  }
0xac: {  	s5 =	sshll.u32 s26, $0x1;
	_ =	strace $0x80000049;
	[dreg:$0x1] =	wrdreg $0xFFFFFFFF  }
0xad: {  	s28 =	simm.s32 $_size_execute0_lowered;
	s3 =	sadd.s32 s3, s5;
	[dreg:$0x0] =	wrdreg $0x0  }
0xae: {  	s5 =	sshll.u32 s28, $0x1;
	[dreg:$0x2] =	wrdreg s3  }
0xaf: {  	[dreg:$0x3] =	wrdreg s5  }
0xb0: {  	[dreg:$0x4] =	wrdreg $0xC0  }
0xb1: {  	_ =	task [dreg:s7], $0x5FFFF  }
0xb2: {  	[dreg:$0x1] =	wrdreg $0xFFFFFFFF  }
0xb3: {  	[dreg:$0x0] =	wrdreg $0x60  }
0xb4: {  	[dreg:$0x2] =	wrdreg s24  }
0xb5: {  	[dreg:$0x3] =	wrdreg s16  }
0xb6: {  	[dreg:$0x4] =	wrdreg $0x9  }
0xb7: {  	_ =	task.clear_ibuf [dreg:s7], $0x5FFFF;
	_ =	strace $0x90000049  }
0xb8: {  	s29 =	simm.s32 $0x9;
	_ =	strace $0x8000004B  }
0xb9: {  	_ =	swait.ge [sflag:s29], $0x1  }
0xba: {  	[sflag:s29] =	ssyncadd.s32 $0xFFFFFFFF  }
0xbb: {  	_ =	strace $0x9000004B  }
0xbc: {  	_ =	sfence  }
0xbd: {  	s30 =	sld [smem:$0x0];
	_ =	sdelay $0x2  }
0xbe: {  	s31 =	sshll.u32 s1, $0xD;
	s1 =	sshrl.u32 s1, $0x2  }
0xbf: {  	s3 =	sand.u32 $0x4000, s31;
	s1 =	sadd.s32 s1, s30  }
0xc0: {  	s0 =	sor.u32 s3, s0;
	s1 =	sshll.u32 s1, $0x11  }
0xc1: {  	s0 =	sor.u32 s1, s0  }
0xc2: {  	s0 =	sadd.s32 $0x8F2B, s0  }
0xc3: {  	[sflag:s0] =	ssyncadd.remote.s32 $0x1  }
0xc4: {  	_ =	sfence.sel $0xFFFF  }
0xc5: {  	[dreg:$0x0] =	wrdreg $0xFFFFFFFF;
	(pc) =	sbr.abs _section_cstart, $3  }
0xc6: {  	[dreg:$0x1] =	wrdreg $0xFFFFFFFF  }
0xc7: {  	_ =	task.clear_ibuf [dreg:s7], $0x2FFFF;
	_ =	strace $0x9FFFFFFF  }
0xc8: {  	(tm) =	ssettm $0x7FFFFFFF  }
0xc9: {  	_ =	shalt  }
tec
execute0_lowered:
.L_overlay_start_1:
0x0: {  	(tag) =	ssettag $0x1  }
0x1: {  	s4 =	rddreg [dreg:$0x0]  }
0x2: {  	s7 =	rddreg [dreg:$0x1]  }
0x3: {  	s0 =	rddreg [dreg:$0x2];
	s3 =	srdreg.scid  }
0x4: {  	s1 =	stileid.u32;
	s2 =	simm.s32 $0x0;
	s10 =	simm.s32 $0x2710  }
0x5: {  	s11 =	simm.s32 $0xC350;
	s12 =	simm.s32 $0x1;
	s13 =	simm.s32 $0x2  }
0x6: {  	s14 =	simm.s32 $0x0;
	s3 =	sand.u32 $0x1, s3;
	s5 =	smul.u32 $0x61A80, s1  }
0x7: {  	[smem:$0x7FF] =	sst s2;
	s6 =	smul.u32 $0x30D40, s3;
	s8 =	ssub.s32 $0x2, s3  }
0x8: {  	_ =	strace $0x8000004A;
	s3 =	sadd.s32 $0x2800, s4;
	s9 =	sshrl.u32 s8, $0x1  }
0x9: {  	s6 =	sadd.s32 s6, s5;
	s26 =	ssub.s32 s8, s9;
	s8 =	simm.s32 $0x3  }
0xa: {  	s9 =	simm.s32 $0x1388;
	s28 =	sadd.s32 s6, s4;
	s29 =	sadd.s32 $0x1388, s6  }
0xb: {  	s4 =	smax.u32 s26, $0x1;
	s31 =	sshrl.u32 s6, $0x3;
	s30 =	sshrl.u32 s29, $0x3  }
0xc: {  	s5 =	sadd.s32 $0x196988, s28;
	s6 =	sadd.s32 s30, s7;
	s7 =	sadd.s32 s31, s7  }
.LBB2_1:
0xd: {  	s15 =	sadd.s32 $0x0, s7  }
0xe: {  	[tilespmem:s2], [sflag:$0x3] =	stream.linear.gather [hbm4b:s15+s2], $0x1388, $0x38;
	[tilespmem:$0x15F90] =	vst v63  }
0xf: {  	_ =	swait.ge [sflag:s8], $0x1388  }
0x10: {  	[sflag:s8] =	ssyncset.done $0x0  }
0x11: {  	[sflag:s8] =	ssyncadd.s32 $0xFFFFEC78  }
0x12: {  	[tilespmem:s10], [sflag:$0x1] =	stream.indirect.gather [hbm4b:s3+s9], $0x8, s2, s9, $0xb8;
	[tilespmem:$0x15F90] =	vst v63  }
0x13: {  	s30 =	sadd.s32 $0x0, s6  }
0x14: {  	[tilespmem:s9], [sflag:$0x3] =	stream.linear.gather [hbm4b:s30+s2], $0x1388, $0x38;
	[tilespmem:$0x15F90] =	vst v63  }
0x15: {  	_ =	swait.ge [sflag:s8], $0x1388  }
0x16: {  	[sflag:s8] =	ssyncset.done $0x0  }
0x17: {  	[sflag:s8] =	ssyncadd.s32 $0xFFFFEC78  }
0x18: {  	[tilespmem:s11], [sflag:$0x2] =	stream.indirect.gather [hbm4b:s3+s9], $0x8, s9, s9, $0xb8;
	[tilespmem:$0x15F90] =	vst v63  }
0x19: {  	_ =	swait.ge [sflag:s12], $0x9C40  }
0x1a: {  	[sflag:s12] =	ssyncset.done $0x0  }
0x1b: {  	s31 =	sadd.s32 $0xFFFFEC78, s5;
	[sflag:s12] =	ssyncadd.s32 $0xFFFF63C0  }
0x1c: {  	[hbm4b:s31+s2] =	stream.linear.scatter [tilespmem:s10], [sflag:$0x3], $0x9C40, $0x38;
	[tilespmem:$0x15F90] =	vst v63  }
0x1d: {  	_ =	swait.ge [sflag:s8], $0x9C40  }
0x1e: {  	[sflag:s8] =	ssyncset.done $0x0  }
0x1f: {  	[sflag:s8] =	ssyncadd.s32 $0xFFFF63C0  }
0x20: {  	_ =	swait.ge [sflag:s13], $0x9C40  }
0x21: {  	[sflag:s13] =	ssyncset.done $0x0  }
0x22: {  	[sflag:s13] =	ssyncadd.s32 $0xFFFF63C0  }
0x23: {  	[hbm4b:s5+s2] =	stream.linear.scatter [tilespmem:s11], [sflag:$0x3], $0x9C40, $0x38;
	[tilespmem:$0x15F90] =	vst v63  }
0x24: {  	s16 =	simm.s32 $0x4E2;
	_ =	swait.ge [sflag:s8], $0x9C40  }
0x25: {  	s17 =	simm.s32 $0x9C4;
	s15 =	sadd.s32 $0x2710, s5;
	[sflag:s8] =	ssyncset.done $0x0  }
.LBB2_2:
0x26: {  	s18 =	sadd.s32 s16, s7  }
0x27: {  	[sflag:s8] =	ssyncadd.s32 $0xFFFF63C0;
	s19 =	smov.u32 s17;
	s20 =	sadd.s32 $0x4E2, s17  }
0x28: {  	[tilespmem:s2], [sflag:$0x3] =	stream.linear.gather [hbm4b:s18+s2], $0x1388, $0x38;
	[tilespmem:$0x15F90] =	vst v63  }
0x29: {  	p0 =	sne.s32 s17, $0x5CC6;
	_ =	swait.ge [sflag:s8], $0x1388  }
0x2a: {  	[sflag:s8] =	ssyncset.done $0x0  }
0x2b: {  	[sflag:s8] =	ssyncadd.s32 $0xFFFFEC78  }
0x2c: {  	[tilespmem:s10], [sflag:$0x1] =	stream.indirect.gather [hbm4b:s3+s9], $0x8, s2, s9, $0xb8;
	[tilespmem:$0x15F90] =	vst v63  }
0x2d: {  	s17 =	sadd.s32 s16, s6;
	s16 =	smov.u32 s19  }
0x2e: {  	[tilespmem:s9], [sflag:$0x3] =	stream.linear.gather [hbm4b:s17+s2], $0x1388, $0x38;
	[tilespmem:$0x15F90] =	vst v63  }
0x2f: {  	_ =	swait.ge [sflag:s8], $0x1388  }
0x30: {  	[sflag:s8] =	ssyncset.done $0x0  }
0x31: {  	[sflag:s8] =	ssyncadd.s32 $0xFFFFEC78  }
0x32: {  	[tilespmem:s11], [sflag:$0x2] =	stream.indirect.gather [hbm4b:s3+s9], $0x8, s9, s9, $0xb8;
	[tilespmem:$0x15F90] =	vst v63  }
0x33: {  	_ =	swait.ge [sflag:s12], $0x9C40  }
0x34: {  	[sflag:s12] =	ssyncset.done $0x0  }
0x35: {  	s17 =	sadd.s32 $0xFFFFEC78, s15;
	[sflag:s12] =	ssyncadd.s32 $0xFFFF63C0  }
0x36: {  	[hbm4b:s17+s2] =	stream.linear.scatter [tilespmem:s10], [sflag:$0x3], $0x9C40, $0x38;
	[tilespmem:$0x15F90] =	vst v63  }
0x37: {  	_ =	swait.ge [sflag:s8], $0x9C40  }
0x38: {  	[sflag:s8] =	ssyncset.done $0x0  }
0x39: {  	[sflag:s8] =	ssyncadd.s32 $0xFFFF63C0  }
0x3a: {  	_ =	swait.ge [sflag:s13], $0x9C40  }
.Ltmp0:
0x3b: {  	[sflag:s13] =	ssyncset.done $0x0;
	(pc) =	sbr.rel @p0 .LBB2_2-.Ltmp0, $4  }
0x3c: {  	[sflag:s13] =	ssyncadd.s32 $0xFFFF63C0  }
0x3d: {  	[hbm4b:s15+s2] =	stream.linear.scatter [tilespmem:s11], [sflag:$0x3], $0x9C40, $0x38;
	[tilespmem:$0x15F90] =	vst v63  }
0x3e: {  	_ =	swait.ge [sflag:s8], $0x9C40  }
0x3f: {  	s17 =	smov.u32 s20;
	s15 =	sadd.s32 $0x2710, s15;
	[sflag:s8] =	ssyncset.done $0x0  }
0x40: {  	s17 =	sadd.s32 s16, s7;
	[sflag:s8] =	ssyncadd.s32 $0xFFFF63C0  }
0x41: {  	[tilespmem:s2], [sflag:$0x3] =	stream.linear.gather [hbm4b:s17+s2], $0x1388, $0x38;
	[tilespmem:$0x15F90] =	vst v63  }
0x42: {  	_ =	swait.ge [sflag:s8], $0x1388  }
0x43: {  	[sflag:s8] =	ssyncset.done $0x0  }
0x44: {  	[sflag:s8] =	ssyncadd.s32 $0xFFFFEC78  }
0x45: {  	[tilespmem:s10], [sflag:$0x1] =	stream.indirect.gather [hbm4b:s3+s9], $0x8, s2, s9, $0xb8;
	[tilespmem:$0x15F90] =	vst v63  }
0x46: {  	s30 =	sadd.s32 s16, s6  }
0x47: {  	[tilespmem:s9], [sflag:$0x3] =	stream.linear.gather [hbm4b:s30+s2], $0x1388, $0x38;
	[tilespmem:$0x15F90] =	vst v63  }
0x48: {  	_ =	swait.ge [sflag:s8], $0x1388  }
0x49: {  	[sflag:s8] =	ssyncset.done $0x0  }
0x4a: {  	[sflag:s8] =	ssyncadd.s32 $0xFFFFEC78  }
0x4b: {  	[tilespmem:s11], [sflag:$0x2] =	stream.indirect.gather [hbm4b:s3+s9], $0x8, s9, s9, $0xb8;
	[tilespmem:$0x15F90] =	vst v63  }
0x4c: {  	_ =	swait.ge [sflag:s12], $0x9C40  }
0x4d: {  	[sflag:s12] =	ssyncset.done $0x0  }
0x4e: {  	s31 =	sadd.s32 $0xFFFFEC78, s15;
	[sflag:s12] =	ssyncadd.s32 $0xFFFF63C0  }
0x4f: {  	[hbm4b:s31+s2] =	stream.linear.scatter [tilespmem:s10], [sflag:$0x3], $0x9C40, $0x38;
	[tilespmem:$0x15F90] =	vst v63  }
0x50: {  	_ =	swait.ge [sflag:s8], $0x9C40  }
0x51: {  	[sflag:s8] =	ssyncset.done $0x0  }
0x52: {  	[sflag:s8] =	ssyncadd.s32 $0xFFFF63C0  }
0x53: {  	s14 =	sadd.s32 $0x1, s14;
	_ =	swait.ge [sflag:s13], $0x9C40  }
0x54: {  	p0 =	sne.s32 s14, s4;
	[sflag:s13] =	ssyncset.done $0x0  }
.Ltmp1:
0x55: {  	[sflag:s13] =	ssyncadd.s32 $0xFFFF63C0;
	(pc) =	sbr.rel @p0 .LBB2_1-.Ltmp1, $4  }
0x56: {  	[hbm4b:s15+s2] =	stream.linear.scatter [tilespmem:s11], [sflag:$0x3], $0x9C40, $0x38;
	[tilespmem:$0x15F90] =	vst v63  }
0x57: {  	_ =	swait.ge [sflag:s8], $0x9C40  }
0x58: {  	[sflag:s8] =	ssyncset.done $0x0  }
0x59: {  	[sflag:s8] =	ssyncadd.s32 $0xFFFF63C0  }
0x5a: {  	_ =	sfence.sel $0x180000  }
0x5b: {  	[bflag:$0x0] =	sbarrier.arrive $0xFFFF  }
0x5c: {  	p0 =	sne.s32 s1, $0x0;
	_ =	strace $0x9000004A  }
0x5d: {  	s0 =	sadd.s32 @!p0 $0x100000, s0;
	[bflag:$0x2] =	sbarrier.arrive $0xFFFF  }
0x5e: {  	[sflag:s0] =	ssyncadd.tile.s32 @!p0 $0x1;
	_ =	shalt  }
.Lfunc_end2:
_tile_overlayer_lowered:
.L_overlay_start_2:
0x5f: {  	(tag) =	ssettag $0x2  }
0x60: {  	s0 =	rddreg [dreg:$0x0];
	s2 =	stileid.u32  }
0x61: {  	s1 =	rddreg [dreg:$0x1];
	p0 =	sne.s32 s2, $0x0  }
0x62: {  	s3 =	rddreg [dreg:$0x2];
	[bflag:$0x3] =	sbarrier.arrive $0xFFFF;
	s2 =	simm.s32 @!p0 $0x1C03  }
0x63: {  	[timem:s3], [sflag:s2] =	dma.local @!p0 [hbm:s0], s1  }
0x64: {  	s0 =	simm.s32 @!p0 $0x3  }
0x65: {  	_ =	swait.ge @!p0 [sflag:s0], s1  }
0x66: {  	s1 =	ssub.s32 @!p0 $0x0, s1;
	[sflag:s0] =	ssyncset.done @!p0 $0x0  }
0x67: {  	[sflag:s0] =	ssyncadd.s32 @!p0 s1  }
0x68: {  	[bflag:$0x3] =	sbarrier.arrive $0xFFFF  }
0x69: {  	_ =	shalt  }

// kernel: sparse-core-data-format-call.1.cloned.1.call-start
scs
called_computation.1_lowered:
.L_overlay_start_0:
0x0: {  	s1 =	sld [smem:$0x3FD9]  }
0x1: {  	s2 =	sld [smem:$0x3FFE];
	_ =	sdelay $0x1  }
0x2: {  	s3 =	srdreg.scid  }
0x3: {  	s0 =	sand.u32 $0x1, s3  }
0x4: {  	s17 =	sshll.u32 s0, $0xA;
	s1 =	sadd.s32 s2, s1  }
0x5: {  	s1 =	sadd.s32 s1, s17  }
0x6: {  	[smem:$0x3FC0] =	sst s1  }
0x7: {  	_ = 	snop  }
0x8: {  	(tm) =	ssettm $0x1  }
0x9: {  	s18 =	sld [smem:$0x3FFB];
	_ =	sdelay $0x3  }
0xa: {  	_ =	strace s18  }
0xb: {  	s1 =	sld [smem:$0x3FFC];
	_ =	sdelay $0x3  }
0xc: {  	_ =	strace s1  }
0xd: {  	s1 =	sld [smem:$0x3FFD];
	_ =	sdelay $0x3  }
0xe: {  	_ =	strace s1  }
0xf: {  	_ =	strace $0x8FFFFFFF  }
0x10: {  	s19 =	sld [smem:$0x3FDB];
	_ =	sdelay $0x1  }
0x11: {  	s20 =	simm.s32 $_scs_section_size  }
0x12: {  	s4 =	simm.s32 $_size__tile_overlayer_lowered;
	s5 =	simm.s32 $_tile_overlayer_lowered  }
0x13: {  	s23 =	simm.s32 $0x1BFF;
	s22 =	sshll.u32 s5, $0x1;
	s1 =	sadd.s32 s20, s19  }
0x14: {  	s6 =	simm.s32 $0x0;
	s21 =	sshll.u32 s4, $0x1;
	s4 =	sadd.s32 s22, s1  }
0x15: {  	[timem:s6], [sflag:s23] =	dma.local [hbm:s4], s21  }
0x16: {  	_ =	swait.ge [sflag:s23], s21  }
0x17: {  	s2 =	ssub.s32 $0x0, s21;
	[sflag:s23] =	ssyncset.done $0x0  }
0x18: {  	[sflag:s23] =	ssyncadd.s32 s2;
	_ =	sdelay $0x1  }
0x19: {  	s24 =	simm.s32 $0x1B8B  }
0x1a: {  	_ =	swait.ge [sflag:s24], $0x1  }
0x1b: {  	[sflag:s24] =	ssyncset.done $0x0  }
0x1c: {  	s26 =	simm.s32 $0x1B8E;
	s25 =	sld [smem:$0x3FFE];
	[sflag:s24] =	ssyncadd.s32 $0xFFFFFFFF  }
0x1d: {  	s27 =	simm.s32 $execute0_lowered;
	[smem:$0x3FD2] =	sst s26  }
0x1e: {  	s4 =	sshll.u32 s27, $0x1;
	_ =	strace $0x80000046;
	[dreg:$0x1] =	wrdreg $0xFFFFFFFF  }
0x1f: {  	s28 =	simm.s32 $_size_execute0_lowered;
	s1 =	sadd.s32 s1, s4;
	[dreg:$0x0] =	wrdreg $0x0  }
0x20: {  	s4 =	sshll.u32 s28, $0x1;
	[dreg:$0x2] =	wrdreg s1  }
0x21: {  	[dreg:$0x3] =	wrdreg s4  }
0x22: {  	[dreg:$0x4] =	wrdreg $0xC0  }
0x23: {  	_ =	task [dreg:s6], $0x5FFFF  }
0x24: {  	[dreg:$0x1] =	wrdreg $0xFFFFFFFF  }
0x25: {  	[dreg:$0x0] =	wrdreg $0x60  }
0x26: {  	[dreg:$0x2] =	wrdreg s25  }
0x27: {  	[dreg:$0x3] =	wrdreg $0x9  }
0x28: {  	_ =	task.clear_ibuf [dreg:s6], $0x4FFFF;
	_ =	strace $0x90000046  }
0x29: {  	s29 =	simm.s32 $0x9;
	_ =	strace $0x80000048  }
0x2a: {  	_ =	swait.ge [sflag:s29], $0x1  }
0x2b: {  	[sflag:s29] =	ssyncadd.s32 $0xFFFFFFFF  }
0x2c: {  	_ =	strace $0x90000048  }
0x2d: {  	_ =	sfence  }
0x2e: {  	s30 =	sld [smem:$0x0];
	_ =	sdelay $0x2  }
0x2f: {  	s31 =	sshll.u32 s3, $0xD;
	s3 =	sshrl.u32 s3, $0x2  }
0x30: {  	s2 =	sand.u32 $0x4000, s31;
	s1 =	sadd.s32 s3, s30  }
0x31: {  	s0 =	sor.u32 s2, s0;
	s1 =	sshll.u32 s1, $0x11  }
0x32: {  	s0 =	sor.u32 s1, s0  }
0x33: {  	s0 =	sadd.s32 $0x8F2B, s0  }
0x34: {  	[sflag:s0] =	ssyncadd.remote.s32 $0x1  }
0x35: {  	_ =	sfence.sel $0xFFFF  }
0x36: {  	[dreg:$0x0] =	wrdreg $0xFFFFFFFF;
	(pc) =	sbr.abs _section_cstart, $3  }
0x37: {  	[dreg:$0x1] =	wrdreg $0xFFFFFFFF  }
0x38: {  	_ =	task.clear_ibuf [dreg:s6], $0x2FFFF;
	_ =	strace $0x9FFFFFFF  }
0x39: {  	(tm) =	ssettm $0x7FFFFFFF  }
tec
execute0_lowered:
.L_overlay_start_1:
0x0: {  	(tag) =	ssettag $0x1  }
0x1: {  	s0 =	srdreg.scid  }
0x2: {  	s5 =	rddreg [dreg:$0x0];
	s1 =	stileid.u32;
	s4 =	simm.s32 $0x1  }
0x3: {  	s6 =	simm.s32 $0x2;
	s15 =	simm.s32 $0x0;
	p0 =	por $0x0, $0x0  }
0x4: {  	s8 =	simm.s32 $0x80;
	s14 =	simm.s32 $0x0;
	s2 =	sshll.u32 s0, $0x4  }
0x5: {  	s9 =	simm.s32 $0x0;
	s10 =	simm.s32 $0x0;
	s2 =	sand.u32 $0x10, s2  }
.Ltmp0:
0x6: {  	s12 =	simm.s32 $0x0;
	s3 =	sor.u32 s1, s2;
	(pc) =	sbr.rel .LBB1_1-.Ltmp0, $4  }
0x7: {  	s0 =	rddreg [dreg:$0x1];
	_ =	strace $0x80000047;
	s3 =	sshll.u32 s3, $0x7  }
0x8: {  	s13 =	simm.s32 $0x0;
	[sflag:s4] =	ssyncpa.u1 $0x0;
	s7 =	ssub.s32 $0x192D00, s3  }
0x9: {  	s2 =	sadd.s32 $0x2800, s5;
	[sflag:s6] =	ssyncpa.u1 $0x0;
	s6 =	sshrl.u32 s7, $0xC  }
0xa: {  	s5 =	sadd.s32 $0x195600, s5;
	s11 =	smov.u32 s3;
	s7 =	sadd.s32 $0x2, s6  }
.LBB1_5:
0xb: {  	p1 =	slt.u32 s13, $0x2  }
0xc: {  	s17 =	smov.u32 s15;
	p2 =	sgt.s32 @!p1 s15, $0x192CD0;
	s16 =	sshra.s32 @!p1 s15, $0x1F  }
0xd: {  	p3 =	sgt.s32 @!p1 s14, $0x78;
	s18 =	sshra.s32 @!p1 s14, $0x1F;
	p2 =	por !p2, p1  }
0xe: {  	s15 =	sand.u32 @!p1 s16, s15;
	p3 =	por !p3, p1;
	s16 =	smov.u32 s14  }
0xf: {  	s14 =	sand.u32 @!p1 s18, s14;
	s17 =	simm.s32 @p2 $0x192CD0;
	s16 =	simm.s32 @p3 $0x78  }
0x10: {  	s15 =	ssub.s32 @!p1 s17, s15;
	s14 =	ssub.s32 @!p1 s16, s14  }
0x11: {  	s18 =	smov.u32 s12;
	s16 =	sadd.s32 @!p1 $0xFFE6D330, s15;
	s17 =	sadd.s32 @!p1 $0xFFFFFF88, s14  }
0x12: {  	s15 =	ssub.s32 @!p1 $0x192D50, s15;
	p2 =	sgt.s32 @!p1 s16, $0x7F;
	p3 =	sgt.s32 @!p1 s17, $0x7  }
0x13: {  	s14 =	ssub.s32 @!p1 $0x80, s14;
	p2 =	por !p2, p1;
	p3 =	por !p3, p1  }
0x14: {  	s16 =	sadd.s32 $0x1000, s11;
	s15 =	simm.s32 @!p2 $0x0;
	s14 =	simm.s32 @!p3 $0x0  }
0x15: {  	p2 =	sgt.s32 s16, $0x192D4F;
	s14 =	smul.u32 @!p1 s14, s15;
	s15 =	sadd.s32 $0x8, s12  }
0x16: {  	s18 =	smov.u32 @p2 s15  }
0x17: {  	s16 =	smov.u32 @p2 s3;
	p2 =	sgt.s32 s18, $0x7  }
0x18: {  	s18 =	simm.s32 @p2 $0x0;
	p2 =	sne.s32 s13, s7  }
.Ltmp1:
0x19: {  	p0 =	por !p0, !p0;
	s17 =	simm.s32 @!p1 $0x2;
	(pc) =	sbr.rel @!p2 .LBB1_6-.Ltmp1, $4  }
0x1a: {  	s15 =	smov.u32 s9;
	s9 =	smov.u32 s11;
	s14 =	sand.u32 @!p1 $0x3FFFFFFF, s14  }
0x1b: {  	s11 =	smov.u32 s16;
	_ =	swait.ge @!p1 [sflag:s17], s14;
	s19 =	ssub.s32 @!p1 $0x0, s14  }
0x1c: {  	s14 =	smov.u32 s10;
	s13 =	sadd.s32 $0x1, s13;
	[sflag:s17] =	ssyncset.done @!p1 $0x0  }
0x1d: {  	s10 =	smov.u32 s12;
	s12 =	smov.u32 s18;
	[sflag:s17] =	ssyncadd.s32 @!p1 s19  }
.LBB1_1:
0x1e: {  	p1 =	sgt.u32 s13, s6  }
0x1f: {  	s16 =	sshrl.u32 @!p1 s12, $0x3  }
0x20: {  	s17 =	sshll.u32 @!p1 s11, $0x3;
	s16 =	smul.u32 @!p1 $0xC96C00, s16  }
0x21: {  	s18 =	sshll.u32 @!p1 s12, $0x7;
	s17 =	sand.u32 @!p1 $0xFFFFFC00, s17  }
0x22: {  	s16 =	sadd.s32 @!p1 s16, s17;
	s17 =	sand.u32 @!p1 $0x380, s18  }
0x23: {  	s18 =	sand.u32 @!p1 $0x7F, s11;
	s16 =	sor.u32 @!p1 s17, s16  }
0x24: {  	s17 =	sor.u32 @!p1 s18, s16  }
0x25: {  	s18 =	smulhi.u32 @!p1 $0x1455DE99, s17;
	_ =	sdelay $0x1  }
0x26: {  	s16 =	smulhi.u32 @!p1 $0x1455DE99, s16;
	s18 =	sshrl.u32 @!p1 s18, $0x11  }
0x27: {  	s18 =	smul.u32 @!p1 $0x192D80, s18  }
0x28: {  	s16 =	sshrl.u32 @!p1 s16, $0x11  }
0x29: {  	s16 =	sand.u32 @!p1 $0x7, s16;
	s17 =	ssub.s32 @!p1 s17, s18  }
0x2a: {  	s16 =	smul.u32 @!p1 $0x325B0, s16;
	s18 =	sxor.u32 @!p1 $0xFFFFFFFF, s13;
	s19 =	sshrl.u32 @!p1 s17, $0x3  }
0x2b: {  	s18 =	sshll.u32 @!p1 s18, $0xA;
	s19 =	sadd.s32 @!p1 s2, s19  }
0x2c: {  	s17 =	sand.u32 @!p1 $0x7, s17;
	s18 =	sand.u32 @!p1 $0x400, s18;
	s16 =	sadd.s32 @!p1 s16, s19  }
0x2d: {  	[tilespmem:s18], [sflag:$0x1] =	stream.linear.gather @!p1 [hbm4b:s16+s17], $0x400, $0x38;
	[tilespmem:$0x1100] =	vst v63  }
0x2e: {  	p1 =	seq.s32 s13, $0x0  }
0x2f: {  	p2 =	sge.u32 @!p1 s13, s7  }
0x30: {  	p1 =	por p1, p2  }
.Ltmp2:
0x31: {  	_ = 	snop;
	(pc) =	sbr.rel @p1 .LBB1_5-.Ltmp2, $1  }
0x32: {  	_ =	sdelay $0x3  }
0x33: {  	s16 =	simm.s32 $0x1  }
0x34: {  	_ =	swait.ge [sflag:s4], $0x400;
	s16 =	simm.s32 @!p0 $0x0  }
0x35: {  	[sflag:s4] =	ssyncset.done $0x0;
	s17 =	sshll.u32 s16, $0xA  }
0x36: {  	[sflag:s4] =	ssyncadd.s32 $0xFFFFFC00;
	s18 =	sor.u32 $0x40, s17  }
0x37: {  	s16 =	smul.u32 $0x1200, s16;
	v0 =	vld [tilespmem:s18+$0x30]  }
0x38: {  	v1 =	vld [tilespmem:s18+$0xFFFFFFD0]  }
0x39: {  	s16 =	sshrl.u32 s16, $0x2;
	v5 =	vld [tilespmem:s18+$0xFFFFFFE0]  }
0x3a: {  	v6 =	vld [tilespmem:s18+$0xFFFFFFF0];
	s19 =	sor.u32 $0x800, s16  }
0x3b: {  	s31 =	sand.u32 $0x1, s13;
	v4 =	vld [tilespmem:s18+$0x0];
	s17 =	sadd.s32 $0x0, s19  }
0x3c: {  	v3 =	vld [tilespmem:s18+$0x10];
	s16 =	smul.u32 $0x1200, s31;
	[tilespmem:s17+$0x3F0 ss:$0x9] =	vst.msk $0xffff, v0  }
0x3d: {  	v2 =	vld [tilespmem:s18+$0x20];
	[tilespmem:s17+$0x90 ss:$0x9] =	vst.msk $0xffff, v1  }
0x3e: {  	s16 =	sshrl.u32 s16, $0x2;
	v1 =	vld [tilespmem:s18+$0xFFFFFFC0];
	[tilespmem:s17+$0x120 ss:$0x9] =	vst.msk $0xffff, v5;
	s18 =	sadd.s32 $0x80, s18  }
0x3f: {  	s20 =	simm.s32 $0x4;
	s21 =	simm.s32 $0x8;
	s16 =	sor.u32 $0x800, s16;
	[tilespmem:s17+$0x1B0 ss:$0x9] =	vst.msk $0xffff, v6;
	v0 =	vld [tilespmem:s18+$0x30]  }
.LBB1_3:
0x40: {  	p1 =	sne.s32 s21, $0x1C;
	v5 =	vld [tilespmem:s18+$0xFFFFFFD0];
	[tilespmem:s17+$0x240 ss:$0x9] =	vst.msk $0xffff, v4  }
0x41: {  	v6 =	vld [tilespmem:s18+$0xFFFFFFE0];
	[tilespmem:s17+$0x2D0 ss:$0x9] =	vst.msk $0xffff, v3  }
0x42: {  	s22 =	sshra.s32 s20, $0x2;
	s20 =	smov.u32 s21;
	v7 =	vld [tilespmem:s18+$0xFFFFFFF0];
	[tilespmem:s17+$0x360 ss:$0x9] =	vst.msk $0xffff, v2  }
.Ltmp3:
0x43: {  	v4 =	vld [tilespmem:s18+$0x0];
	[tilespmem:s17+$0x0 ss:$0x9] =	vst.msk $0xffff, v1;
	s17 =	sadd.s32 s22, s19;
	(pc) =	sbr.rel @p1 .LBB1_3-.Ltmp3, $4  }
0x44: {  	v3 =	vld [tilespmem:s18+$0x10];
	[tilespmem:s17+$0x3F0 ss:$0x9] =	vst.msk $0xffff, v0  }
0x45: {  	[tilespmem:s17+$0x90 ss:$0x9] =	vst.msk $0xffff, v5;
	v2 =	vld [tilespmem:s18+$0x20]  }
0x46: {  	v1 =	vld [tilespmem:s18+$0xFFFFFFC0];
	[tilespmem:s17+$0x120 ss:$0x9] =	vst.msk $0xffff, v6;
	s18 =	sadd.s32 $0x80, s18  }
0x47: {  	s21 =	sadd.s32 $0x4, s21;
	v0 =	vld [tilespmem:s18+$0x30];
	[tilespmem:s17+$0x1B0 ss:$0x9] =	vst.msk $0xffff, v7  }
0x48: {  	s21 =	sshll.u32 s9, $0x7;
	s22 =	sshll.u32 s10, $0x3;
	s20 =	sshra.s32 s20, $0x2  }
0x49: {  	p1 =	sgt.s32 s9, $0x192CD0;
	s23 =	sand.u32 $0xFFFFFC00, s21;
	s22 =	sand.u32 $0xFFFFFC00, s22  }
0x4a: {  	v5 =	vld [tilespmem:s18+$0xFFFFFFD0];
	s30 =	sshra.s32 s9, $0x1F;
	s21 =	sand.u32 $0x380, s21;
	s22 =	sadd.s32 s22, s23  }
0x4b: {  	v6 =	vld [tilespmem:s18+$0xFFFFFFE0];
	[tilespmem:s17+$0x240 ss:$0x9] =	vst.msk $0xffff, v4;
	s25 =	sshra.s32 s10, $0x1F;
	s19 =	sadd.s32 s20, s19;
	s29 =	sor.u32 s21, s22  }
0x4c: {  	v60 =	vld [tilespmem:s18+$0xFFFFFFF0];
	[tilespmem:s17+$0x2D0 ss:$0x9] =	vst.msk $0xffff, v3;
	s21 =	smov.u32 s9;
	s22 =	sand.u32 s30, s9;
	s30 =	sand.u32 $0x7, s10  }
0x4d: {  	v61 =	vld [tilespmem:s18+$0x0];
	[tilespmem:s17+$0x360 ss:$0x9] =	vst.msk $0xffff, v2;
	s20 =	sshrl.u32 s29, $0x7;
	s21 =	simm.s32 @!p1 $0x192CD0;
	p1 =	sgt.s32 s10, $0x78  }
0x4e: {  	v62 =	vld [tilespmem:s18+$0x10];
	[tilespmem:s17+$0x0 ss:$0x9] =	vst.msk $0xffff, v1;
	s29 =	sshrl.u32 s10, $0x3;
	s24 =	ssub.s32 s21, s22;
	s21 =	smov.u32 s10  }
0x4f: {  	v63 =	vld [tilespmem:s18+$0x20];
	[tilespmem:s19+$0x3F0 ss:$0x9] =	vst.msk $0xffff, v0;
	s31 =	smulhi.u32 $0xA2B02B, s20;
	s22 =	sand.u32 s25, s10;
	s21 =	simm.s32 @!p1 $0x78  }
0x50: {  	[tilespmem:s19+$0x90 ss:$0x9] =	vst.msk $0xffff, v5;
	s27 =	sadd.s32 $0xFFE6D330, s24;
	s17 =	ssub.s32 $0x192D50, s24;
	s21 =	ssub.s32 s21, s22  }
0x51: {  	v7 =	vld [tilespmem:s18+$0xFFFFFFC0];
	[tilespmem:s19+$0x120 ss:$0x9] =	vst.msk $0xffff, v6;
	s26 =	sshrl.u32 s31, $0xC;
	p1 =	sgt.s32 s27, $0x7F;
	s28 =	sadd.s32 $0xFFFFFF88, s21  }
0x52: {  	[tilespmem:s19+$0x1B0 ss:$0x9] =	vst.msk $0xffff, v60;
	s18 =	smul.u32 $0x192D50, s26;
	s21 =	ssub.s32 $0x80, s21;
	p2 =	sgt.s32 s28, $0x7  }
.Ltmp4:
0x53: {  	[tilespmem:s19+$0x240 ss:$0x9] =	vst.msk $0xffff, v61;
	s17 =	simm.s32 @p1 $0x0;
	s21 =	simm.s32 @p2 $0x0;
	(pc) =	sbr.rel .LBB1_5-.Ltmp4, $4  }
0x54: {  	[tilespmem:s19+$0x2D0 ss:$0x9] =	vst.msk $0xffff, v62;
	s18 =	ssub.s32 s20, s18;
	s20 =	sand.u32 $0xF, s29;
	s17 =	smul.u32 s21, s17  }
0x55: {  	[tilespmem:s19+$0x360 ss:$0x9] =	vst.msk $0xffff, v63;
	s18 =	sshll.u32 s18, $0x4;
	s20 =	sadd.s32 s5, s20;
	s21 =	sshll.u32 s30, $0x12  }
0x56: {  	[tilespmem:s19+$0x0 ss:$0x9] =	vst.msk $0xffff, v7;
	s18 =	sadd.s32 s18, s20;
	s31 =	sor.u32 $0x8, s21;
	s17 =	sand.u32 $0x3FFFFFFF, s17  }
0x57: {  	[hbm4b:s18+s31] =	stream.strided.scatter [tilespmem:s16], [sflag:$0x2], s17, s8, s31, $0x0;
	[tilespmem:$0x1100] =	vst v63  }
.LBB1_6:
0x58: {  	_ =	sfence.sel $0x180000  }
0x59: {  	s2 =	simm.s32 $0x1;
	[bflag:$0x0] =	sbarrier.arrive $0xFFFF  }
0x5a: {  	s31 =	simm.s32 $0x2;
	[sflag:s2] =	ssyncpa.u1 $0x1  }
0x5b: {  	[sflag:s31] =	ssyncpa.u1 $0x1  }
0x5c: {  	p0 =	sne.s32 s1, $0x0;
	_ =	strace $0x90000047  }
0x5d: {  	s0 =	sadd.s32 @!p0 $0x100000, s0;
	[bflag:$0x2] =	sbarrier.arrive $0xFFFF  }
0x5e: {  	[sflag:s0] =	ssyncadd.tile.s32 @!p0 $0x1;
	_ =	shalt  }
.Lfunc_end1:
_tile_overlayer_lowered:
.L_overlay_start_2:
0x5f: {  	(tag) =	ssettag $0x2  }
0x60: {  	s0 =	rddreg [dreg:$0x0];
	s2 =	stileid.u32  }
0x61: {  	s1 =	rddreg [dreg:$0x1];
	p0 =	sne.s32 s2, $0x0  }
0x62: {  	s3 =	rddreg [dreg:$0x2];
	[bflag:$0x3] =	sbarrier.arrive $0xFFFF;
	s2 =	simm.s32 @!p0 $0x1C01  }
0x63: {  	[timem:s3], [sflag:s2] =	dma.local @!p0 [hbm:s0], s1  }
0x64: {  	s0 =	simm.s32 @!p0 $0x1  }
0x65: {  	_ =	swait.ge @!p0 [sflag:s0], s1  }
0x66: {  	s1 =	ssub.s32 @!p0 $0x0, s1;
	[sflag:s0] =	ssyncset.done @!p0 $0x0  }
0x67: {  	[sflag:s0] =	ssyncadd.s32 @!p0 s1  }
0x68: {  	[bflag:$0x3] =	sbarrier.arrive $0xFFFF  }
0x69: {  	_ =	shalt  }

// kernel: sparse-core-data-format-call.cloned.1.call-start
scs
called_computation_lowered:
.L_overlay_start_0:
0x0: {  	s2 =	sld [smem:$0x3FD9]  }
0x1: {  	s3 =	sld [smem:$0x3FFE];
	_ =	sdelay $0x1  }
0x2: {  	s1 =	srdreg.scid  }
0x3: {  	s0 =	sand.u32 $0x1, s1  }
0x4: {  	s15 =	sshll.u32 s0, $0xA;
	s2 =	sadd.s32 s3, s2  }
0x5: {  	s2 =	sadd.s32 s2, s15  }
0x6: {  	[smem:$0x3FC0] =	sst s2  }
0x7: {  	_ = 	snop  }
0x8: {  	s2 =	sld [smem:$0x3FD0];
	_ =	sdelay $0x2  }
0x9: {  	s16 =	simm.s32 $0xA;
	s4 =	simm.s32 $0x10  }
0xa: {  	[smem:s4], [sflag:s16] =	dma.local [hbm:s2], $0x1  }
0xb: {  	_ =	swait.eq [sflag:s16], $0x1  }
0xc: {  	[sflag:s16] =	ssyncset.done $0x0  }
0xd: {  	[sflag:s16] =	ssyncadd.s32 $0xFFFFFFFF  }
0xe: {  	s17 =	sld [smem:$0x10];
	(tm) =	ssettm $0x1  }
0xf: {  	s18 =	sld [smem:$0x3FFB];
	_ =	sdelay $0x3  }
0x10: {  	_ =	strace s18  }
0x11: {  	s3 =	sld [smem:$0x3FFC];
	_ =	sdelay $0x3  }
0x12: {  	_ =	strace s3  }
0x13: {  	s3 =	sld [smem:$0x3FFD];
	_ =	sdelay $0x3  }
0x14: {  	_ =	strace s3  }
0x15: {  	_ =	strace $0x8FFFFFFF  }
0x16: {  	s19 =	sld [smem:$0x3FDB];
	_ =	sdelay $0x1  }
0x17: {  	s20 =	simm.s32 $_scs_section_size  }
0x18: {  	s5 =	simm.s32 $_size__tile_overlayer_lowered;
	s6 =	simm.s32 $_tile_overlayer_lowered  }
0x19: {  	s23 =	simm.s32 $0x1BFF;
	s22 =	sshll.u32 s6, $0x1;
	s3 =	sadd.s32 s20, s19  }
0x1a: {  	s7 =	simm.s32 $0x0;
	s21 =	sshll.u32 s5, $0x1;
	s5 =	sadd.s32 s22, s3  }
0x1b: {  	[timem:s7], [sflag:s23] =	dma.local [hbm:s5], s21  }
0x1c: {  	_ =	swait.ge [sflag:s23], s21  }
0x1d: {  	s4 =	ssub.s32 $0x0, s21;
	[sflag:s23] =	ssyncset.done $0x0  }
0x1e: {  	[sflag:s23] =	ssyncadd.s32 s4;
	_ =	sdelay $0x1  }
0x1f: {  	s24 =	simm.s32 $0x1B8B  }
0x20: {  	_ =	swait.ge [sflag:s24], $0x1  }
0x21: {  	[sflag:s24] =	ssyncset.done $0x0  }
0x22: {  	s26 =	simm.s32 $0x1B8E;
	s25 =	sld [smem:$0x3FFE];
	[sflag:s24] =	ssyncadd.s32 $0xFFFFFFFF  }
0x23: {  	s27 =	simm.s32 $execute0_lowered;
	[smem:$0x3FD2] =	sst s26  }
0x24: {  	s5 =	sshll.u32 s27, $0x1;
	_ =	strace $0x8000004C;
	[dreg:$0x1] =	wrdreg $0xFFFFFFFF  }
0x25: {  	s28 =	simm.s32 $_size_execute0_lowered;
	s3 =	sadd.s32 s3, s5;
	[dreg:$0x0] =	wrdreg $0x0  }
0x26: {  	s5 =	sshll.u32 s28, $0x1;
	[dreg:$0x2] =	wrdreg s3  }
0x27: {  	[dreg:$0x3] =	wrdreg s5  }
0x28: {  	[dreg:$0x4] =	wrdreg $0xC0  }
0x29: {  	_ =	task [dreg:s7], $0x5FFFF  }
0x2a: {  	[dreg:$0x1] =	wrdreg $0xFFFFFFFF  }
0x2b: {  	[dreg:$0x0] =	wrdreg $0x60  }
0x2c: {  	[dreg:$0x2] =	wrdreg s25  }
0x2d: {  	[dreg:$0x3] =	wrdreg s17  }
0x2e: {  	[dreg:$0x4] =	wrdreg $0x9  }
0x2f: {  	_ =	task.clear_ibuf [dreg:s7], $0x5FFFF;
	_ =	strace $0x9000004C  }
0x30: {  	s29 =	simm.s32 $0x9;
	_ =	strace $0x8000004E  }
0x31: {  	_ =	swait.ge [sflag:s29], $0x1  }
0x32: {  	[sflag:s29] =	ssyncadd.s32 $0xFFFFFFFF  }
0x33: {  	_ =	strace $0x9000004E  }
0x34: {  	_ =	sfence  }
0x35: {  	s30 =	sld [smem:$0x0];
	_ =	sdelay $0x2  }
0x36: {  	s31 =	sshll.u32 s1, $0xD;
	s1 =	sshrl.u32 s1, $0x2  }
0x37: {  	s3 =	sand.u32 $0x4000, s31;
	s1 =	sadd.s32 s1, s30  }
0x38: {  	s0 =	sor.u32 s3, s0;
	s1 =	sshll.u32 s1, $0x11  }
0x39: {  	s0 =	sor.u32 s1, s0  }
0x3a: {  	s0 =	sadd.s32 $0x8F2B, s0  }
0x3b: {  	[sflag:s0] =	ssyncadd.remote.s32 $0x1  }
0x3c: {  	_ =	sfence.sel $0xFFFF  }
0x3d: {  	[dreg:$0x0] =	wrdreg $0xFFFFFFFF;
	(pc) =	sbr.abs _section_cstart, $3  }
0x3e: {  	[dreg:$0x1] =	wrdreg $0xFFFFFFFF  }
0x3f: {  	_ =	task.clear_ibuf [dreg:s7], $0x2FFFF;
	_ =	strace $0x9FFFFFFF  }
0x40: {  	(tm) =	ssettm $0x7FFFFFFF  }
0x41: {  	_ =	shalt  }
tec
execute0_lowered:
.L_overlay_start_1:
0x0: {  	(tag) =	ssettag $0x1  }
0x1: {  	s0 =	srdreg.scid  }
0x2: {  	s1 =	sshll.u32 s0, $0x4  }
0x3: {  	s6 =	rddreg [dreg:$0x0];
	s0 =	stileid.u32;
	s1 =	sand.u32 $0x10, s1  }
0x4: {  	s3 =	rddreg [dreg:$0x1];
	s1 =	sor.u32 s0, s1  }
0x5: {  	s7 =	simm.s32 $0x1;
	s8 =	simm.s32 $0x2;
	s2 =	sshll.u32 s1, $0x7  }
0x6: {  	s10 =	simm.s32 $0x0;
	s9 =	simm.s32 $0x0;
	s5 =	ssub.s32 $0x186A00, s2  }
.Ltmp0:
0x7: {  	s6 =	sadd.s32 $0xDE2E00, s6;
	s4 =	sand.u32 $0xF80, s5;
	(pc) =	sbr.rel .LBB1_1-.Ltmp0, $4  }
0x8: {  	s1 =	rddreg [dreg:$0x2];
	_ =	strace $0x8000004D;
	p0 =	sne.s32 s4, $0x0  }
0x9: {  	s5 =	sshrl.u32 s5, $0xC;
	s4 =	simm.s32 $0x1;
	s7 =	simm.s32 @!p0 $0x0  }
0xa: {  	[sflag:s4] =	ssyncpa.u1 $0x0;
	p0 =	por $0x0, $0x0;
	s5 =	sadd.s32 s7, s5  }
0xb: {  	[sflag:s8] =	ssyncpa.u1 $0x0;
	s8 =	smov.u32 s2;
	s7 =	sadd.s32 $0x1, s5  }
.LBB1_4:
0xc: {  	[tilespmem:s20+$0xFFFFFFFA ss:$0x81] =	vst.msk $0xff, v4  }
0xd: {  	v4 =	vld.msk [tilespmem:s21+$0xFFFFFFF0], $0xff;
	_ =	sdelay $0x3  }
0xe: {  	[tilespmem:s18+$0xFFFFFFFB ss:$0x81] =	vst.msk $0xff, v3  }
0xf: {  	v3 =	vld.msk [tilespmem:s19+$0xFFFFFFF8], $0xff;
	[tilespmem:s20+$0xFFFFFFFB ss:$0x81] =	vst.msk $0xff, v4  }
0x10: {  	v4 =	vld.msk [tilespmem:s21+$0xFFFFFFF8], $0xff;
	_ =	sdelay $0x3  }
0x11: {  	v5 =	vld.msk [tilespmem:s17+$0x0], $0xff;
	[tilespmem:s18+$0xFFFFFFFC ss:$0x81] =	vst.msk $0xff, v3  }
0x12: {  	v3 =	vld.msk [tilespmem:s19+$0x0], $0xff;
	[tilespmem:s20+$0xFFFFFFFC ss:$0x81] =	vst.msk $0xff, v4  }
0x13: {  	v4 =	vld.msk [tilespmem:s21+$0x0], $0xff;
	_ =	sdelay $0x2  }
0x14: {  	[tilespmem:s16+$0xFFFFFFFD ss:$0x81] =	vst.msk $0xff, v5  }
0x15: {  	v5 =	vld.msk [tilespmem:s17+$0x8], $0xff;
	[tilespmem:s18+$0xFFFFFFFD ss:$0x81] =	vst.msk $0xff, v3  }
0x16: {  	v3 =	vld.msk [tilespmem:s19+$0x8], $0xff;
	[tilespmem:s20+$0xFFFFFFFD ss:$0x81] =	vst.msk $0xff, v4  }
0x17: {  	v4 =	vld.msk [tilespmem:s21+$0x8], $0xff;
	_ =	sdelay $0x1  }
0x18: {  	[tilespmem:s13+$0xFFFFFFFE ss:$0x81] =	vst.msk $0xff, v2  }
0x19: {  	v2 =	vld.msk [tilespmem:s15+$0x10], $0xff;
	[tilespmem:s16+$0xFFFFFFFE ss:$0x81] =	vst.msk $0xff, v5  }
0x1a: {  	v5 =	vld.msk [tilespmem:s17+$0x10], $0xff;
	[tilespmem:s18+$0xFFFFFFFE ss:$0x81] =	vst.msk $0xff, v3  }
0x1b: {  	v3 =	vld.msk [tilespmem:s19+$0x10], $0xff;
	[tilespmem:s20+$0xFFFFFFFE ss:$0x81] =	vst.msk $0xff, v4  }
0x1c: {  	s23 =	sshll.u32 s10, $0x3;
	v4 =	vld.msk [tilespmem:s21+$0x10], $0xff  }
0x1d: {  	[tilespmem:s12+$0xFFFFFFFF ss:$0x81] =	vst.msk $0xff, v1;
	s23 =	sand.u32 $0xFFFFFC00, s23  }
0x1e: {  	v1 =	vld.msk [tilespmem:s14+$0x18], $0xff;
	s27 =	sshrl.u32 s23, $0x9;
	[tilespmem:s13+$0xFFFFFFFF ss:$0x81] =	vst.msk $0xff, v2  }
0x1f: {  	s14 =	smulhi.u32 $0xA7C5AD, s27;
	v2 =	vld.msk [tilespmem:s15+$0x18], $0xff;
	[tilespmem:s16+$0xFFFFFFFF ss:$0x81] =	vst.msk $0xff, v5  }
0x20: {  	v61 =	vld.msk [tilespmem:s17+$0x18], $0xff;
	[tilespmem:s18+$0xFFFFFFFF ss:$0x81] =	vst.msk $0xff, v3  }
0x21: {  	s14 =	sshrl.u32 s14, $0x3;
	v62 =	vld.msk [tilespmem:s19+$0x18], $0xff;
	[tilespmem:s20+$0xFFFFFFFF ss:$0x81] =	vst.msk $0xff, v4  }
0x22: {  	[tilespmem:s11+$0x0 ss:$0x81] =	vst.msk $0xff, v0;
	s28 =	sand.u32 $0x7F, s10;
	s29 =	smul.u32 $0x186A00, s14;
	v63 =	vld.msk [tilespmem:s21+$0x18], $0xff  }
0x23: {  	s10 =	sor.u32 s28, s23;
	[tilespmem:s12+$0x0 ss:$0x81] =	vst.msk $0xff, v1  }
0x24: {  	s30 =	sand.u32 $0x7, s14;
	s10 =	ssub.s32 s10, s29;
	[tilespmem:s13+$0x0 ss:$0x81] =	vst.msk $0xff, v2  }
0x25: {  	s11 =	smul.u32 $0x30D40, s30;
	s31 =	sshrl.u32 s10, $0x3;
	[tilespmem:s16+$0x0 ss:$0x81] =	vst.msk $0xff, v61  }
0x26: {  	s12 =	sadd.s32 s3, s31;
	[tilespmem:s18+$0x0 ss:$0x81] =	vst.msk $0xff, v62  }
0x27: {  	s10 =	sand.u32 $0x7, s10;
	s11 =	sadd.s32 s11, s12;
	[tilespmem:s20+$0x0 ss:$0x81] =	vst.msk $0xff, v63  }
0x28: {  	[hbm4b:s11+s10] =	stream.linear.scatter [tilespmem:s22], [sflag:$0x2], $0x400, $0x20;
	[tilespmem:$0x1010] =	vst v63  }
.LBB1_5:
0x29: {  	s12 =	sadd.s32 $0x1000, s8  }
0x2a: {  	p2 =	sgt.s32 s12, $0x1869FF  }
0x2b: {  	s12 =	smov.u32 @p2 s2;
	p2 =	sne.s32 s9, s7  }
.Ltmp1:
0x2c: {  	p1 =	slt.u32 s9, $0x2;
	(pc) =	sbr.rel @!p2 .LBB1_6-.Ltmp1, $4  }
0x2d: {  	s11 =	simm.s32 @!p1 $0x2  }
0x2e: {  	s13 =	sadd.s32 $0x1, s9;
	_ =	swait.ge @!p1 [sflag:s11], $0x400  }
0x2f: {  	s10 =	smov.u32 s8;
	p0 =	por !p0, !p0;
	[sflag:s11] =	ssyncset.done @!p1 $0x0  }
0x30: {  	s9 =	smov.u32 s13;
	s8 =	smov.u32 s12;
	[sflag:s11] =	ssyncadd.s32 @!p1 $0xFFFFFC00  }
.LBB1_1:
0x31: {  	p1 =	sge.u32 s9, s5  }
0x32: {  	s11 =	sand.u32 @!p1 $0x1FFFFFF, s8  }
0x33: {  	s12 =	smulhi.u32 @!p1 $0x14F8B59, s11;
	_ =	sdelay $0x1  }
0x34: {  	s12 =	sshrl.u32 @!p1 s12, $0xD  }
0x35: {  	s12 =	smul.u32 @!p1 $0x186A00, s12;
	_ =	sdelay $0x1  }
0x36: {  	s31 =	sadd.s32 $0xFFFFFFFF, s9;
	s13 =	sxor.u32 @!p1 $0xFFFFFFFF, s9;
	s11 =	ssub.s32 @!p1 s11, s12  }
0x37: {  	s14 =	simm.s32 @!p1 $0x80;
	s13 =	sshll.u32 @!p1 s13, $0xA;
	s11 =	sshll.u32 @!p1 s11, $0x4  }
0x38: {  	s12 =	sand.u32 @!p1 $0x400, s13;
	s13 =	simm.s32 @!p1 $0x8;
	s11 =	sadd.s32 @!p1 s6, s11  }
0x39: {  	[tilespmem:s12], [sflag:$0x1] =	stream.strided.gather @!p1 [hbm4b:s11+s13], $0x400, s14, s13, $0x38;
	[tilespmem:$0x1010] =	vst v63  }
0x3a: {  	p1 =	sge.u32 s31, s5  }
.Ltmp2:
0x3b: {  	_ = 	snop;
	(pc) =	sbr.rel @p1 .LBB1_5-.Ltmp2, $1  }
0x3c: {  	_ =	sdelay $0x3  }
0x3d: {  	s11 =	simm.s32 $0x1  }
0x3e: {  	_ =	swait.ge [sflag:s4], $0x400;
	s11 =	simm.s32 @!p0 $0x0  }
0x3f: {  	[sflag:s4] =	ssyncset.done $0x0;
	s12 =	sshll.u32 s11, $0xA  }
0x40: {  	[sflag:s4] =	ssyncadd.s32 $0xFFFFFC00;
	s20 =	sor.u32 $0x20, s12  }
0x41: {  	v0 =	vld.msk [tilespmem:s20+$0xFFFFFFE0], $0xff  }
0x42: {  	s11 =	smul.u32 $0x1020, s11;
	_ =	sdelay $0x1  }
0x43: {  	s11 =	sshrl.u32 s11, $0x2  }
0x44: {  	s11 =	sor.u32 $0x807, s11  }
0x45: {  	[tilespmem:s11+$0xFFFFFFF9 ss:$0x81] =	vst.msk $0xff, v0  }
0x46: {  	v0 =	vld.msk [tilespmem:s20+$0xFFFFFFE8], $0xff  }
0x47: {  	s14 =	sadd.s32 $0x40, s20  }
0x48: {  	v1 =	vld.msk [tilespmem:s14+$0xFFFFFFE0], $0xff;
	_ =	sdelay $0x2  }
0x49: {  	[tilespmem:s11+$0xFFFFFFFA ss:$0x81] =	vst.msk $0xff, v0  }
0x4a: {  	s12 =	sadd.s32 $0x8, s11;
	v0 =	vld.msk [tilespmem:s20+$0xFFFFFFF0], $0xff  }
0x4b: {  	[tilespmem:s12+$0xFFFFFFF9 ss:$0x81] =	vst.msk $0xff, v1  }
0x4c: {  	v1 =	vld.msk [tilespmem:s14+$0xFFFFFFE8], $0xff  }
0x4d: {  	s15 =	sadd.s32 $0x40, s14  }
0x4e: {  	v2 =	vld.msk [tilespmem:s15+$0xFFFFFFE0], $0xff  }
0x4f: {  	[tilespmem:s11+$0xFFFFFFFB ss:$0x81] =	vst.msk $0xff, v0  }
0x50: {  	v0 =	vld.msk [tilespmem:s20+$0xFFFFFFF8], $0xff  }
0x51: {  	[tilespmem:s12+$0xFFFFFFFA ss:$0x81] =	vst.msk $0xff, v1  }
0x52: {  	s13 =	sadd.s32 $0x8, s12;
	v1 =	vld.msk [tilespmem:s14+$0xFFFFFFF0], $0xff  }
0x53: {  	[tilespmem:s13+$0xFFFFFFF9 ss:$0x81] =	vst.msk $0xff, v2  }
0x54: {  	s17 =	sadd.s32 $0x40, s15;
	v2 =	vld.msk [tilespmem:s15+$0xFFFFFFE8], $0xff  }
0x55: {  	[tilespmem:s11+$0xFFFFFFFC ss:$0x81] =	vst.msk $0xff, v0;
	v0 =	vld.msk [tilespmem:s17+$0xFFFFFFE0], $0xff  }
0x56: {  	v3 =	vld.msk [tilespmem:s20+$0x0], $0xff  }
0x57: {  	[tilespmem:s12+$0xFFFFFFFB ss:$0x81] =	vst.msk $0xff, v1  }
0x58: {  	v1 =	vld.msk [tilespmem:s14+$0xFFFFFFF8], $0xff  }
0x59: {  	s16 =	sadd.s32 $0x8, s13;
	[tilespmem:s13+$0xFFFFFFFA ss:$0x81] =	vst.msk $0xff, v2  }
0x5a: {  	v2 =	vld.msk [tilespmem:s15+$0xFFFFFFF0], $0xff;
	[tilespmem:s16+$0xFFFFFFF9 ss:$0x81] =	vst.msk $0xff, v0  }
0x5b: {  	v0 =	vld.msk [tilespmem:s17+$0xFFFFFFE8], $0xff;
	[tilespmem:s11+$0xFFFFFFFD ss:$0x81] =	vst.msk $0xff, v3  }
0x5c: {  	s19 =	sadd.s32 $0x40, s17;
	v3 =	vld.msk [tilespmem:s20+$0x8], $0xff  }
0x5d: {  	[tilespmem:s12+$0xFFFFFFFC ss:$0x81] =	vst.msk $0xff, v1;
	v1 =	vld.msk [tilespmem:s19+$0xFFFFFFE0], $0xff  }
0x5e: {  	v4 =	vld.msk [tilespmem:s14+$0x0], $0xff  }
0x5f: {  	[tilespmem:s13+$0xFFFFFFFB ss:$0x81] =	vst.msk $0xff, v2  }
0x60: {  	v2 =	vld.msk [tilespmem:s15+$0xFFFFFFF8], $0xff;
	[tilespmem:s16+$0xFFFFFFFA ss:$0x81] =	vst.msk $0xff, v0  }
0x61: {  	s18 =	sadd.s32 $0x8, s16;
	v0 =	vld.msk [tilespmem:s17+$0xFFFFFFF0], $0xff;
	[tilespmem:s11+$0xFFFFFFFE ss:$0x81] =	vst.msk $0xff, v3  }
0x62: {  	[tilespmem:s18+$0xFFFFFFF9 ss:$0x81] =	vst.msk $0xff, v1;
	v1 =	vld.msk [tilespmem:s20+$0x10], $0xff  }
0x63: {  	[tilespmem:s12+$0xFFFFFFFD ss:$0x81] =	vst.msk $0xff, v4;
	v3 =	vld.msk [tilespmem:s19+$0xFFFFFFE8], $0xff  }
0x64: {  	s21 =	sadd.s32 $0x40, s19;
	v4 =	vld.msk [tilespmem:s14+$0x8], $0xff  }
0x65: {  	[tilespmem:s13+$0xFFFFFFFC ss:$0x81] =	vst.msk $0xff, v2;
	v2 =	vld.msk [tilespmem:s21+$0xFFFFFFE0], $0xff  }
0x66: {  	v5 =	vld.msk [tilespmem:s15+$0x0], $0xff;
	[tilespmem:s16+$0xFFFFFFFB ss:$0x81] =	vst.msk $0xff, v0  }
0x67: {  	v6 =	vld.msk [tilespmem:s17+$0xFFFFFFF8], $0xff;
	[tilespmem:s11+$0xFFFFFFFF ss:$0x81] =	vst.msk $0xff, v1  }
0x68: {  	s22 =	sand.u32 $0x1, s9;
	[tilespmem:s18+$0xFFFFFFFA ss:$0x81] =	vst.msk $0xff, v3;
	v0 =	vld.msk [tilespmem:s20+$0x18], $0xff  }
0x69: {  	s22 =	smul.u32 $0x1020, s22;
	[tilespmem:s12+$0xFFFFFFFE ss:$0x81] =	vst.msk $0xff, v4;
	v3 =	vld.msk [tilespmem:s19+$0xFFFFFFF0], $0xff;
	s20 =	sadd.s32 $0x8, s18  }
0x6a: {  	v1 =	vld.msk [tilespmem:s14+$0x10], $0xff;
	[tilespmem:s20+$0xFFFFFFF9 ss:$0x81] =	vst.msk $0xff, v2  }
0x6b: {  	s22 =	sshrl.u32 s22, $0x2;
	[tilespmem:s13+$0xFFFFFFFD ss:$0x81] =	vst.msk $0xff, v5;
	v4 =	vld.msk [tilespmem:s21+$0xFFFFFFE8], $0xff  }
0x6c: {  	s23 =	simm.s32 $0x28;
	s22 =	sor.u32 $0x800, s22;
	s24 =	sadd.s32 $0x40, s21;
	v2 =	vld.msk [tilespmem:s15+$0x8], $0xff;
	[tilespmem:s16+$0xFFFFFFFC ss:$0x81] =	vst.msk $0xff, v6  }
.LBB1_3:
0x6d: {  	v5 =	vld.msk [tilespmem:s24+$0xFFFFFFE0], $0xff;
	[tilespmem:s11+$0x0 ss:$0x81] =	vst.msk $0xff, v0;
	s11 =	smov.u32 s12;
	s12 =	smov.u32 s13;
	s13 =	smov.u32 s16  }
0x6e: {  	s23 =	sadd.s32 $0x8, s23;
	s16 =	smov.u32 s18;
	[tilespmem:s18+$0xFFFFFFFB ss:$0x81] =	vst.msk $0xff, v3;
	v6 =	vld.msk [tilespmem:s17+$0x0], $0xff;
	s18 =	smov.u32 s20  }
0x6f: {  	p1 =	slt.u32 s23, $0x78;
	v7 =	vld.msk [tilespmem:s19+$0xFFFFFFF8], $0xff;
	[tilespmem:s11+$0xFFFFFFFF ss:$0x81] =	vst.msk $0xff, v1  }
.Ltmp3:
0x70: {  	[tilespmem:s20+$0xFFFFFFFA ss:$0x81] =	vst.msk $0xff, v4;
	v0 =	vld.msk [tilespmem:s14+$0x18], $0xff;
	s14 =	smov.u32 s15;
	s15 =	smov.u32 s17;
	(pc) =	sbr.rel @p1 .LBB1_3-.Ltmp3, $4  }
0x71: {  	s20 =	sadd.s32 $0x8, s20;
	s17 =	smov.u32 s19;
	s19 =	smov.u32 s21;
	v3 =	vld.msk [tilespmem:s21+$0xFFFFFFF0], $0xff;
	[tilespmem:s12+$0xFFFFFFFE ss:$0x81] =	vst.msk $0xff, v2  }
0x72: {  	s21 =	smov.u32 s24;
	[tilespmem:s20+$0xFFFFFFF9 ss:$0x81] =	vst.msk $0xff, v5;
	v1 =	vld.msk [tilespmem:s14+$0x10], $0xff  }
0x73: {  	v4 =	vld.msk [tilespmem:s24+$0xFFFFFFE8], $0xff;
	[tilespmem:s13+$0xFFFFFFFD ss:$0x81] =	vst.msk $0xff, v6  }
0x74: {  	s24 =	sadd.s32 $0x40, s24;
	[tilespmem:s16+$0xFFFFFFFC ss:$0x81] =	vst.msk $0xff, v7;
	v2 =	vld.msk [tilespmem:s15+$0x8], $0xff  }
.Ltmp4:
0x75: {  	_ = 	snop;
	(pc) =	sbr.rel .LBB1_4-.Ltmp4, $1  }
0x76: {  	_ =	sdelay $0x3  }
.LBB1_6:
0x77: {  	_ =	sfence.sel $0x180000  }
0x78: {  	s2 =	simm.s32 $0x1;
	[bflag:$0x0] =	sbarrier.arrive $0xFFFF  }
0x79: {  	s31 =	simm.s32 $0x2;
	[sflag:s2] =	ssyncpa.u1 $0x1  }
0x7a: {  	[sflag:s31] =	ssyncpa.u1 $0x1  }
0x7b: {  	p0 =	sne.s32 s0, $0x0;
	_ =	strace $0x9000004D  }
0x7c: {  	s0 =	sadd.s32 @!p0 $0x100000, s1;
	[bflag:$0x2] =	sbarrier.arrive $0xFFFF  }
0x7d: {  	[sflag:s0] =	ssyncadd.tile.s32 @!p0 $0x1;
	_ =	shalt  }
.Lfunc_end1:
_tile_overlayer_lowered:
.L_overlay_start_2:
0x7e: {  	(tag) =	ssettag $0x2  }
0x7f: {  	s0 =	rddreg [dreg:$0x0];
	s2 =	stileid.u32  }
0x80: {  	s1 =	rddreg [dreg:$0x1];
	p0 =	sne.s32 s2, $0x0  }
0x81: {  	s3 =	rddreg [dreg:$0x2];
	[bflag:$0x3] =	sbarrier.arrive $0xFFFF;
	s2 =	simm.s32 @!p0 $0x1C01  }
0x82: {  	[timem:s3], [sflag:s2] =	dma.local @!p0 [hbm:s0], s1  }
0x83: {  	s0 =	simm.s32 @!p0 $0x1  }
0x84: {  	_ =	swait.ge @!p0 [sflag:s0], s1  }
0x85: {  	s1 =	ssub.s32 @!p0 $0x0, s1;
	[sflag:s0] =	ssyncset.done @!p0 $0x0  }
0x86: {  	[sflag:s0] =	ssyncadd.s32 @!p0 s1  }
0x87: {  	[bflag:$0x3] =	sbarrier.arrive $0xFFFF  }
0x88: {  	_ =	shalt  }

</sc_bundles>
